<compile_context>
chip_gen: v7x
topology: tpu7x:2x2x1
jax: 0.10.2.dev20260603
libtpu: 0.0.44.dev20260713+nightly
codegen_flags: <defaults>
</compile_context>

<pallas_src>
import functools

import jax
import jax.numpy as jnp
from jax import lax
from jax.experimental import pallas as pl
from jax.experimental.pallas import tpu as pltpu
from jax.experimental.pallas import tpu_sc as plsc

N_NODES = 10000
N_EDGES = 320000
D_IN = 128
D_OUT = 128
DP = 144

NC = 2
NS = 16
NW = NC * NS
EDGE_B = 64
E_PER_W = 10240
E_TOTAL_PAD = E_PER_W * NW
NB = E_PER_W // EDGE_B
NSLOT = 4
GDEPTH = 2
N_PAD = 10240
ROWS_PER_TILE = N_PAD // NS
N_SPARE = N_PAD - N_NODES


@functools.cache
def _build_sc_scatter():
    mesh = plsc.VectorSubcoreMesh(core_axis_name="c", subcore_axis_name="s",
                                  num_cores=NC, num_subcores=NS)

    @functools.partial(
        pl.kernel,
        out_type=jax.ShapeDtypeStruct((NC, N_PAD, DP), jnp.float32),
        mesh=mesh,
        scratch_types=[
            pltpu.VMEM((2, EDGE_B), jnp.int32),
            pltpu.VMEM((2, EDGE_B), jnp.int32),
            pltpu.VMEM((2, EDGE_B), jnp.int32),
            pltpu.VMEM((2, EDGE_B), jnp.int32),
            pltpu.VMEM((EDGE_B, DP), jnp.float32),
            pltpu.VMEM((EDGE_B, DP), jnp.float32),
            pltpu.VMEM((EDGE_B, DP), jnp.float32),
            pltpu.VMEM((EDGE_B, DP), jnp.float32),
            pltpu.VMEM_SHARED((N_PAD, DP), jnp.float32),
            pltpu.SemaphoreType.DMA,
            pltpu.SemaphoreType.DMA,
            pltpu.SemaphoreType.DMA,
            pltpu.SemaphoreType.DMA,
            pltpu.SemaphoreType.DMA,
            pltpu.SemaphoreType.DMA,
            pltpu.SemaphoreType.DMA,
            pltpu.SemaphoreType.DMA,
        ],
        compiler_params=pltpu.CompilerParams(use_tc_tiling_on_sc=False),
    )
    def _sc_scatter(xa_hbm, idx_hbm, zeros_hbm, out_hbm,
                    i0, i1, i2, i3, b0, b1, b2, b3, agg_sh,
                    g0, g1, g2, g3, s0, s1, s2, s3):
        cid = lax.axis_index("c")
        sid = lax.axis_index("s")
        w = cid * NS + sid
        r0 = sid * ROWS_PER_TILE
        slabs = (i0, i1, i2, i3)
        bufs = (b0, b1, b2, b3)
        gsems = (g0, g1, g2, g3)
        ssems = (s0, s1, s2, s3)
        pltpu.sync_copy(zeros_hbm, agg_sh.at[pl.ds(r0, ROWS_PER_TILE)])
        plsc.subcore_barrier()

        for k in range(GDEPTH):
            pltpu.sync_copy(idx_hbm.at[w, k], slabs[k])
            pltpu.async_copy(xa_hbm.at[slabs[k].at[0]], bufs[k], gsems[k])

        def chunk(c, carry):
            for j in range(NSLOT):
                g = NSLOT * c + j
                t = (j + GDEPTH) % NSLOT

                @pl.when(jnp.logical_and(g >= GDEPTH, g + GDEPTH < NB))
                def _():
                    pltpu.make_async_copy(
                        bufs[t], agg_sh.at[slabs[t].at[1]], ssems[t]).wait()

                @pl.when(g + GDEPTH < NB)
                def _():
                    pltpu.sync_copy(idx_hbm.at[w, g + GDEPTH], slabs[t])
                    pltpu.async_copy(
                        xa_hbm.at[slabs[t].at[0]], bufs[t], gsems[t])

                pltpu.make_async_copy(
                    xa_hbm.at[slabs[j].at[0]], bufs[j], gsems[j]).wait()
                pltpu.async_copy(bufs[j], agg_sh.at[slabs[j].at[1]],
                                 ssems[j], add=True)
            return carry

        lax.fori_loop(0, NB // NSLOT, chunk, 0)
        for k in range(NSLOT):
            pltpu.make_async_copy(
                bufs[k], agg_sh.at[slabs[k].at[1]], ssems[k]).wait()
        plsc.subcore_barrier()
        pltpu.sync_copy(agg_sh.at[pl.ds(r0, ROWS_PER_TILE)],
                        out_hbm.at[cid, pl.ds(r0, ROWS_PER_TILE)])

    return _sc_scatter


_TC_R = 1000


def _tc_body(x_ref, p0_ref, p1_ref, wt_ref, b_ref, o_ref):
    s = p0_ref[0, :, :D_IN] + p1_ref[0, :, :D_IN]
    deg = p0_ref[0, :, D_IN:D_IN + 1] + p1_ref[0, :, D_IN:D_IN + 1]
    agg = s / jnp.maximum(deg, 1.0)
    out = jnp.dot(x_ref[...], wt_ref[:D_IN, :],
                  preferred_element_type=jnp.float32)
    out += jnp.dot(agg, wt_ref[D_IN:, :], preferred_element_type=jnp.float32)
    o_ref[...] = out + b_ref[...]


def kernel(x, edge_index, W, b):
    ei = edge_index.astype(jnp.int32)
    pad = E_TOTAL_PAD - N_EDGES
    dummy_rows = N_NODES + jnp.arange(pad, dtype=jnp.int32) % N_SPARE
    row = jnp.concatenate([ei[0], dummy_rows]).reshape(NW, NB, EDGE_B)
    dummy_cols = jnp.arange(pad, dtype=jnp.int32) * 37 % N_NODES
    col = jnp.concatenate([ei[1], dummy_cols]).reshape(NW, NB, EDGE_B)
    idx = jnp.stack([col, row], axis=2)
    ones_pad = jnp.concatenate(
        [jnp.ones((N_NODES, 1), jnp.float32),
         jnp.zeros((N_NODES, DP - D_IN - 1), jnp.float32)], axis=1)
    xa = jnp.concatenate([x.astype(jnp.float32), ones_pad], axis=1)
    zeros = jnp.zeros((ROWS_PER_TILE, DP), jnp.float32)

    partials = _build_sc_scatter()(xa, idx, zeros)

    wt = W.T.astype(jnp.float32)
    b2 = b.reshape(1, D_OUT).astype(jnp.float32)
    grid = (N_NODES // _TC_R,)
    return pl.pallas_call(
        _tc_body,
        grid=grid,
        in_specs=[
            pl.BlockSpec((_TC_R, D_IN), lambda i: (i, 0)),
            pl.BlockSpec((1, _TC_R, DP), lambda i: (0, i, 0)),
            pl.BlockSpec((1, _TC_R, DP), lambda i: (1, i, 0)),
            pl.BlockSpec((2 * D_IN, D_OUT), lambda i: (0, 0)),
            pl.BlockSpec((1, D_OUT), lambda i: (0, 0)),
        ],
        out_specs=pl.BlockSpec((_TC_R, D_OUT), lambda i: (i, 0)),
        out_shape=jax.ShapeDtypeStruct((N_NODES, D_OUT), jnp.float32),
    )(x.astype(jnp.float32), partials, partials, wt, b2)

# --- scband reference (transcript-rebuilt; emitter-appended) ---
"""Pipeline reference for scband-graph-sagelayer-43679817400489 (READ-ONLY COPY).

The authoritative reference and input builder live on the scoring server;
editing this copy changes nothing except your own understanding.
"""

import jax, jax.numpy as jnp
import numpy as np

N_NODES = 10000
N_EDGES = 320000
D_IN = 128
D_OUT = 128

def setup_inputs(seed: int = 0) -> dict:
    key = jax.random.key(seed)
    k_x, k_e, k_w, k_b = jax.random.split(key, 4)
    x = jax.random.normal(k_x, (N_NODES, D_IN), dtype=jnp.float32)
    edge_index = jax.random.randint(k_e, (2, N_EDGES), 0, N_NODES, dtype=jnp.int64)
    # torch.nn.Linear(in_channels*2, out_channels): W [out, 2*in], b [out]
    bound = 1.0 / np.sqrt(2 * D_IN)
    W = jax.random.uniform(k_w, (D_OUT, 2 * D_IN), dtype=jnp.float32, minval=-bound, maxval=bound)
    b = jax.random.uniform(k_b, (D_OUT,), dtype=jnp.float32, minval=-bound, maxval=bound)
    return {"x": x, "edge_index": edge_index, "W": W, "b": b}

def reference(x, edge_index, W, b):
    row = edge_index[0]
    col = edge_index[1]
    n = x.shape[0]
    # scatter-add: agg.index_add_(0, row, x[col])
    agg = jnp.zeros_like(x).at[row].add(x[col])
    # degree normalization via bincount, clamped to min 1
    deg = jnp.bincount(row, minlength=n, length=n)
    deg = jnp.clip(deg, 1, None).astype(x.dtype)[:, None]
    agg = agg / deg
    out = jnp.concatenate([x, agg], axis=-1)
    return out @ W.T + b

if __name__ == "__main__":
    import jax
    _d = setup_inputs()
    print(jax.jit(kernel)(*tuple(_d.values())))

</pallas_src>

<mosaic_0001>
#map = affine_map<(d0, d1) -> (0, 0)>
#map1 = affine_map<(d0, d1) -> (0, 0, 0, 0)>
#map2 = affine_map<(d0, d1) -> (0, 0, 0)>
module attributes {stable_mosaic.version = 14 : i64} {
  func.func @_sc_scatter(%arg0: i32, %arg1: i32, %arg2: memref<10000x144xf32, #tpu.memory_space<hbm>>, %arg3: memref<32x160x2x64xi32, #tpu.memory_space<hbm>>, %arg4: memref<640x144xf32, #tpu.memory_space<hbm>>, %arg5: memref<2x10240x144xf32, #tpu.memory_space<hbm>>, %arg6: memref<2x64xi32, #tpu.memory_space<vmem>>, %arg7: memref<2x64xi32, #tpu.memory_space<vmem>>, %arg8: memref<2x64xi32, #tpu.memory_space<vmem>>, %arg9: memref<2x64xi32, #tpu.memory_space<vmem>>, %arg10: memref<64x144xf32, #tpu.memory_space<vmem>>, %arg11: memref<64x144xf32, #tpu.memory_space<vmem>>, %arg12: memref<64x144xf32, #tpu.memory_space<vmem>>, %arg13: memref<64x144xf32, #tpu.memory_space<vmem>>, %arg14: memref<10240x144xf32, #tpu.memory_space<vmem_shared>>, %arg15: memref<!tpu.dma_semaphore, #tpu.memory_space<semaphore_mem>>, %arg16: memref<!tpu.dma_semaphore, #tpu.memory_space<semaphore_mem>>, %arg17: memref<!tpu.dma_semaphore, #tpu.memory_space<semaphore_mem>>, %arg18: memref<!tpu.dma_semaphore, #tpu.memory_space<semaphore_mem>>, %arg19: memref<!tpu.dma_semaphore, #tpu.memory_space<semaphore_mem>>, %arg20: memref<!tpu.dma_semaphore, #tpu.memory_space<semaphore_mem>>, %arg21: memref<!tpu.dma_semaphore, #tpu.memory_space<semaphore_mem>>, %arg22: memref<!tpu.dma_semaphore, #tpu.memory_space<semaphore_mem>>) attributes {dimension_semantics = [#tpu.dimension_semantics<core_parallel>, #tpu.dimension_semantics<subcore_parallel>], iteration_bounds = array<i64: 2, 16>, scalar_prefetch = 0 : i64, scratch_operands = 17 : i64, tpu.core_type = #tpu.core_type<sc_vector_subcore>, window_params = [{transform_indices = #map}, {transform_indices = #map1}, {transform_indices = #map}, {transform_indices = #map2}]} {
    %mul3A = arith.constant 16 : i32
    %mul3A_0 = arith.muli %arg0, %mul3A : i32
    %add3A = arith.addi %mul3A_0, %arg1 : i32
    %mul3A_1 = arith.constant 640 : i32
    %mul3A_2 = arith.muli %arg1, %mul3A_1 : i32
    "tpu.region"() ({
      %run_scoped3A_50 = tpu.sem_alloc : memref<!tpu.dma_semaphore, #tpu.memory_space<semaphore_mem>>
      %dma_start3A_51 = arith.constant 0 : i32
      %dma_start3A_52 = tpu.memref_slice %arg14[%mul3A_2, %dma_start3A_51] : memref<10240x144xf32, #tpu.memory_space<vmem_shared>> -> memref<640x144xf32, #tpu.memory_space<vmem_shared>>
      tpu.enqueue_dma source(%arg4 : memref<640x144xf32, #tpu.memory_space<hbm>>) target(%dma_start3A_52 : memref<640x144xf32, #tpu.memory_space<vmem_shared>>) target_semaphore(%run_scoped3A_50 : memref<!tpu.dma_semaphore, #tpu.memory_space<semaphore_mem>>)
      %dma_wait3A_53 = arith.constant 0 : i32
      %dma_wait3A_54 = tpu.memref_slice %arg14[%mul3A_2, %dma_wait3A_53] : memref<10240x144xf32, #tpu.memory_space<vmem_shared>> -> memref<640x144xf32, #tpu.memory_space<vmem_shared>>
      tpu.wait_dma2 semaphore(%run_scoped3A_50 : memref<!tpu.dma_semaphore, #tpu.memory_space<semaphore_mem>>) src(%arg4 : memref<640x144xf32, #tpu.memory_space<hbm>>) dst(%dma_wait3A_54 : memref<640x144xf32, #tpu.memory_space<vmem_shared>>)
      tpu.yield
    }) : () -> ()
    %barrier3A = arith.constant 0 : index
    tpu.barrier barrier_id(%barrier3A)
    %run_scoped3A = arith.constant 0 : i32
    "tpu.region"() ({
      %run_scoped3A_50 = tpu.sem_alloc : memref<!tpu.dma_semaphore, #tpu.memory_space<semaphore_mem>>
      %dma_start3A_51 = arith.constant 0 : i32
      %dma_start3A_52 = arith.constant 0 : i32
      %dma_start3A_53 = tpu.memref_slice %arg3[%add3A, %run_scoped3A, %dma_start3A_51, %dma_start3A_52] : memref<32x160x2x64xi32, #tpu.memory_space<hbm>> -> memref<1x1x2x64xi32, #tpu.memory_space<hbm>>
      %dma_start3A_54 = tpu.memref_squeeze %dma_start3A_53 : memref<1x1x2x64xi32, #tpu.memory_space<hbm>> -> memref<2x64xi32, #tpu.memory_space<hbm>>
      %dma_start3A_55 = arith.constant 0 : i32
      %dma_start3A_56 = arith.constant 0 : i32
      %dma_start3A_57 = tpu.memref_slice %arg3[%add3A, %run_scoped3A, %dma_start3A_55, %dma_start3A_56] : memref<32x160x2x64xi32, #tpu.memory_space<hbm>> -> memref<1x1x2x64xi32, #tpu.memory_space<hbm>>
      %dma_start3A_58 = tpu.memref_squeeze %dma_start3A_57 : memref<1x1x2x64xi32, #tpu.memory_space<hbm>> -> memref<2x64xi32, #tpu.memory_space<hbm>>
      tpu.enqueue_dma source(%dma_start3A_58 : memref<2x64xi32, #tpu.memory_space<hbm>>) target(%arg6 : memref<2x64xi32, #tpu.memory_space<vmem>>) target_semaphore(%run_scoped3A_50 : memref<!tpu.dma_semaphore, #tpu.memory_space<semaphore_mem>>)
      %dma_wait3A_59 = arith.constant 0 : i32
      %dma_wait3A_60 = arith.constant 0 : i32
      %dma_wait3A_61 = tpu.memref_slice %arg3[%add3A, %run_scoped3A, %dma_wait3A_59, %dma_wait3A_60] : memref<32x160x2x64xi32, #tpu.memory_space<hbm>> -> memref<1x1x2x64xi32, #tpu.memory_space<hbm>>
      %dma_wait3A_62 = tpu.memref_squeeze %dma_wait3A_61 : memref<1x1x2x64xi32, #tpu.memory_space<hbm>> -> memref<2x64xi32, #tpu.memory_space<hbm>>
      %dma_wait3A_63 = arith.constant 0 : i32
      %dma_wait3A_64 = arith.constant 0 : i32
      %dma_wait3A_65 = tpu.memref_slice %arg3[%add3A, %run_scoped3A, %dma_wait3A_63, %dma_wait3A_64] : memref<32x160x2x64xi32, #tpu.memory_space<hbm>> -> memref<1x1x2x64xi32, #tpu.memory_space<hbm>>
      %dma_wait3A_66 = tpu.memref_squeeze %dma_wait3A_65 : memref<1x1x2x64xi32, #tpu.memory_space<hbm>> -> memref<2x64xi32, #tpu.memory_space<hbm>>
      tpu.wait_dma2 semaphore(%run_scoped3A_50 : memref<!tpu.dma_semaphore, #tpu.memory_space<semaphore_mem>>) src(%dma_wait3A_66 : memref<2x64xi32, #tpu.memory_space<hbm>>) dst(%arg6 : memref<2x64xi32, #tpu.memory_space<vmem>>)
      tpu.yield
    }) : () -> ()
    %dma_start3A = arith.constant 0 : i32
    %dma_start3A_3 = arith.constant 0 : i32
    %dma_start3A_4 = tpu.memref_slice %arg6[%dma_start3A, %dma_start3A_3] : memref<2x64xi32, #tpu.memory_space<vmem>> -> memref<1x64xi32, #tpu.memory_space<vmem>>
    %dma_start3A_5 = tpu.memref_squeeze %dma_start3A_4 : memref<1x64xi32, #tpu.memory_space<vmem>> -> memref<64xi32, #tpu.memory_space<vmem>>
    %dma_start3A_6 = arith.constant 0 : i32
    %dma_start3A_7 = arith.constant 0 : i32
    %dma_start3A_8 = tpu.memref_slice %arg2[%dma_start3A_6, %dma_start3A_7] : memref<10000x144xf32, #tpu.memory_space<hbm>> -> memref<10000x144xf32, #tpu.memory_space<hbm>>
    tpu.enqueue_indirect_dma source(%dma_start3A_8 : memref<10000x144xf32, #tpu.memory_space<hbm>>) target(%arg10 : memref<64x144xf32, #tpu.memory_space<vmem>>) offsets(%dma_start3A_5 : memref<64xi32, #tpu.memory_space<vmem>>) semaphore(%arg15 : memref<!tpu.dma_semaphore, #tpu.memory_space<semaphore_mem>>)
    %run_scoped3A_9 = arith.constant 1 : i32
    "tpu.region"() ({
      %run_scoped3A_50 = tpu.sem_alloc : memref<!tpu.dma_semaphore, #tpu.memory_space<semaphore_mem>>
      %dma_start3A_51 = arith.constant 0 : i32
      %dma_start3A_52 = arith.constant 0 : i32
      %dma_start3A_53 = tpu.memref_slice %arg3[%add3A, %run_scoped3A_9, %dma_start3A_51, %dma_start3A_52] : memref<32x160x2x64xi32, #tpu.memory_space<hbm>> -> memref<1x1x2x64xi32, #tpu.memory_space<hbm>>
      %dma_start3A_54 = tpu.memref_squeeze %dma_start3A_53 : memref<1x1x2x64xi32, #tpu.memory_space<hbm>> -> memref<2x64xi32, #tpu.memory_space<hbm>>
      %dma_start3A_55 = arith.constant 0 : i32
      %dma_start3A_56 = arith.constant 0 : i32
      %dma_start3A_57 = tpu.memref_slice %arg3[%add3A, %run_scoped3A_9, %dma_start3A_55, %dma_start3A_56] : memref<32x160x2x64xi32, #tpu.memory_space<hbm>> -> memref<1x1x2x64xi32, #tpu.memory_space<hbm>>
      %dma_start3A_58 = tpu.memref_squeeze %dma_start3A_57 : memref<1x1x2x64xi32, #tpu.memory_space<hbm>> -> memref<2x64xi32, #tpu.memory_space<hbm>>
      tpu.enqueue_dma source(%dma_start3A_58 : memref<2x64xi32, #tpu.memory_space<hbm>>) target(%arg7 : memref<2x64xi32, #tpu.memory_space<vmem>>) target_semaphore(%run_scoped3A_50 : memref<!tpu.dma_semaphore, #tpu.memory_space<semaphore_mem>>)
      %dma_wait3A_59 = arith.constant 0 : i32
      %dma_wait3A_60 = arith.constant 0 : i32
      %dma_wait3A_61 = tpu.memref_slice %arg3[%add3A, %run_scoped3A_9, %dma_wait3A_59, %dma_wait3A_60] : memref<32x160x2x64xi32, #tpu.memory_space<hbm>> -> memref<1x1x2x64xi32, #tpu.memory_space<hbm>>
      %dma_wait3A_62 = tpu.memref_squeeze %dma_wait3A_61 : memref<1x1x2x64xi32, #tpu.memory_space<hbm>> -> memref<2x64xi32, #tpu.memory_space<hbm>>
      %dma_wait3A_63 = arith.constant 0 : i32
      %dma_wait3A_64 = arith.constant 0 : i32
      %dma_wait3A_65 = tpu.memref_slice %arg3[%add3A, %run_scoped3A_9, %dma_wait3A_63, %dma_wait3A_64] : memref<32x160x2x64xi32, #tpu.memory_space<hbm>> -> memref<1x1x2x64xi32, #tpu.memory_space<hbm>>
      %dma_wait3A_66 = tpu.memref_squeeze %dma_wait3A_65 : memref<1x1x2x64xi32, #tpu.memory_space<hbm>> -> memref<2x64xi32, #tpu.memory_space<hbm>>
      tpu.wait_dma2 semaphore(%run_scoped3A_50 : memref<!tpu.dma_semaphore, #tpu.memory_space<semaphore_mem>>) src(%dma_wait3A_66 : memref<2x64xi32, #tpu.memory_space<hbm>>) dst(%arg7 : memref<2x64xi32, #tpu.memory_space<vmem>>)
      tpu.yield
    }) : () -> ()
    %dma_start3A_10 = arith.constant 0 : i32
    %dma_start3A_11 = arith.constant 0 : i32
    %dma_start3A_12 = tpu.memref_slice %arg7[%dma_start3A_10, %dma_start3A_11] : memref<2x64xi32, #tpu.memory_space<vmem>> -> memref<1x64xi32, #tpu.memory_space<vmem>>
    %dma_start3A_13 = tpu.memref_squeeze %dma_start3A_12 : memref<1x64xi32, #tpu.memory_space<vmem>> -> memref<64xi32, #tpu.memory_space<vmem>>
    %dma_start3A_14 = arith.constant 0 : i32
    %dma_start3A_15 = arith.constant 0 : i32
    %dma_start3A_16 = tpu.memref_slice %arg2[%dma_start3A_14, %dma_start3A_15] : memref<10000x144xf32, #tpu.memory_space<hbm>> -> memref<10000x144xf32, #tpu.memory_space<hbm>>
    tpu.enqueue_indirect_dma source(%dma_start3A_16 : memref<10000x144xf32, #tpu.memory_space<hbm>>) target(%arg11 : memref<64x144xf32, #tpu.memory_space<vmem>>) offsets(%dma_start3A_13 : memref<64xi32, #tpu.memory_space<vmem>>) semaphore(%arg16 : memref<!tpu.dma_semaphore, #tpu.memory_space<semaphore_mem>>)
    %scan3A = arith.constant 0 : i32
    %scan3A_17 = arith.constant 0 : i32
    %scan3A_18 = arith.constant 40 : i32
    %scan3A_19 = arith.addi %scan3A_17, %scan3A_18 : i32
    %scan3A_20 = arith.constant 1 : i32
    scf.for %scan3A_50 = %scan3A_17 to %scan3A_19 step %scan3A_20  : i32 {
      %mul3A_51 = arith.constant 4 : i32
      %mul3A_52 = arith.muli %mul3A_51, %scan3A_50 : i32
      %add3A_53 = arith.constant 0 : i32
      %add3A_54 = arith.addi %mul3A_52, %add3A_53 : i32
      %ge3A = arith.constant 2 : i32
      %ge3A_55 = arith.cmpi sge, %add3A_54, %ge3A : i32
      %add3A_56 = arith.constant 2 : i32
      %add3A_57 = arith.addi %add3A_54, %add3A_56 : i32
      %lt3A = arith.constant 160 : i32
      %lt3A_58 = arith.cmpi slt, %add3A_57, %lt3A : i32
      %and3A = arith.andi %ge3A_55, %lt3A_58 : i1
      %convert_element_type3A = arith.extui %and3A : i1 to i32
      %cond3A = arith.constant 0 : i32
      %cond3A_59 = arith.cmpi ne, %convert_element_type3A, %cond3A : i32
      scf.if %cond3A_59 {
        %dma_wait3A_186 = arith.constant 1 : i32
        %dma_wait3A_187 = arith.constant 0 : i32
        %dma_wait3A_188 = tpu.memref_slice %arg8[%dma_wait3A_186, %dma_wait3A_187] : memref<2x64xi32, #tpu.memory_space<vmem>> -> memref<1x64xi32, #tpu.memory_space<vmem>>
        %dma_wait3A_189 = tpu.memref_squeeze %dma_wait3A_188 : memref<1x64xi32, #tpu.memory_space<vmem>> -> memref<64xi32, #tpu.memory_space<vmem>>
        %dma_wait3A_190 = arith.constant 0 : i32
        %dma_wait3A_191 = arith.constant 0 : i32
        %dma_wait3A_192 = tpu.memref_slice %arg14[%dma_wait3A_190, %dma_wait3A_191] : memref<10240x144xf32, #tpu.memory_space<vmem_shared>> -> memref<10240x144xf32, #tpu.memory_space<vmem_shared>>
        tpu.wait_indirect_dma semaphore(%arg21 : memref<!tpu.dma_semaphore, #tpu.memory_space<semaphore_mem>>) src(%arg12 : memref<64x144xf32, #tpu.memory_space<vmem>>) dst(%dma_wait3A_192 : memref<10240x144xf32, #tpu.memory_space<vmem_shared>>)
      } else {
      }
      %add3A_60 = arith.constant 2 : i32
      %add3A_61 = arith.addi %add3A_54, %add3A_60 : i32
      %lt3A_62 = arith.constant 160 : i32
      %lt3A_63 = arith.cmpi slt, %add3A_61, %lt3A_62 : i32
      %convert_element_type3A_64 = arith.extui %lt3A_63 : i1 to i32
      %cond3A_65 = arith.constant 0 : i32
      %cond3A_66 = arith.cmpi ne, %convert_element_type3A_64, %cond3A_65 : i32
      scf.if %cond3A_66 {
        %add3A_186 = arith.constant 2 : i32
        %add3A_187 = arith.addi %add3A_54, %add3A_186 : i32
        "tpu.region"() ({
          %run_scoped3A_195 = tpu.sem_alloc : memref<!tpu.dma_semaphore, #tpu.memory_space<semaphore_mem>>
          %dma_start3A_196 = arith.constant 0 : i32
          %dma_start3A_197 = arith.constant 0 : i32
          %dma_start3A_198 = tpu.memref_slice %arg3[%add3A, %add3A_187, %dma_start3A_196, %dma_start3A_197] : memref<32x160x2x64xi32, #tpu.memory_space<hbm>> -> memref<1x1x2x64xi32, #tpu.memory_space<hbm>>
          %dma_start3A_199 = tpu.memref_squeeze %dma_start3A_198 : memref<1x1x2x64xi32, #tpu.memory_space<hbm>> -> memref<2x64xi32, #tpu.memory_space<hbm>>
          %dma_start3A_200 = arith.constant 0 : i32
          %dma_start3A_201 = arith.constant 0 : i32
          %dma_start3A_202 = tpu.memref_slice %arg3[%add3A, %add3A_187, %dma_start3A_200, %dma_start3A_201] : memref<32x160x2x64xi32, #tpu.memory_space<hbm>> -> memref<1x1x2x64xi32, #tpu.memory_space<hbm>>
          %dma_start3A_203 = tpu.memref_squeeze %dma_start3A_202 : memref<1x1x2x64xi32, #tpu.memory_space<hbm>> -> memref<2x64xi32, #tpu.memory_space<hbm>>
          tpu.enqueue_dma source(%dma_start3A_203 : memref<2x64xi32, #tpu.memory_space<hbm>>) target(%arg8 : memref<2x64xi32, #tpu.memory_space<vmem>>) target_semaphore(%run_scoped3A_195 : memref<!tpu.dma_semaphore, #tpu.memory_space<semaphore_mem>>)
          %dma_wait3A_204 = arith.constant 0 : i32
          %dma_wait3A_205 = arith.constant 0 : i32
          %dma_wait3A_206 = tpu.memref_slice %arg3[%add3A, %add3A_187, %dma_wait3A_204, %dma_wait3A_205] : memref<32x160x2x64xi32, #tpu.memory_space<hbm>> -> memref<1x1x2x64xi32, #tpu.memory_space<hbm>>
          %dma_wait3A_207 = tpu.memref_squeeze %dma_wait3A_206 : memref<1x1x2x64xi32, #tpu.memory_space<hbm>> -> memref<2x64xi32, #tpu.memory_space<hbm>>
          %dma_wait3A_208 = arith.constant 0 : i32
          %dma_wait3A_209 = arith.constant 0 : i32
          %dma_wait3A_210 = tpu.memref_slice %arg3[%add3A, %add3A_187, %dma_wait3A_208, %dma_wait3A_209] : memref<32x160x2x64xi32, #tpu.memory_space<hbm>> -> memref<1x1x2x64xi32, #tpu.memory_space<hbm>>
          %dma_wait3A_211 = tpu.memref_squeeze %dma_wait3A_210 : memref<1x1x2x64xi32, #tpu.memory_space<hbm>> -> memref<2x64xi32, #tpu.memory_space<hbm>>
          tpu.wait_dma2 semaphore(%run_scoped3A_195 : memref<!tpu.dma_semaphore, #tpu.memory_space<semaphore_mem>>) src(%dma_wait3A_211 : memref<2x64xi32, #tpu.memory_space<hbm>>) dst(%arg8 : memref<2x64xi32, #tpu.memory_space<vmem>>)
          tpu.yield
        }) : () -> ()
        %dma_start3A_188 = arith.constant 0 : i32
        %dma_start3A_189 = arith.constant 0 : i32
        %dma_start3A_190 = tpu.memref_slice %arg8[%dma_start3A_188, %dma_start3A_189] : memref<2x64xi32, #tpu.memory_space<vmem>> -> memref<1x64xi32, #tpu.memory_space<vmem>>
        %dma_start3A_191 = tpu.memref_squeeze %dma_start3A_190 : memref<1x64xi32, #tpu.memory_space<vmem>> -> memref<64xi32, #tpu.memory_space<vmem>>
        %dma_start3A_192 = arith.constant 0 : i32
        %dma_start3A_193 = arith.constant 0 : i32
        %dma_start3A_194 = tpu.memref_slice %arg2[%dma_start3A_192, %dma_start3A_193] : memref<10000x144xf32, #tpu.memory_space<hbm>> -> memref<10000x144xf32, #tpu.memory_space<hbm>>
        tpu.enqueue_indirect_dma source(%dma_start3A_194 : memref<10000x144xf32, #tpu.memory_space<hbm>>) target(%arg12 : memref<64x144xf32, #tpu.memory_space<vmem>>) offsets(%dma_start3A_191 : memref<64xi32, #tpu.memory_space<vmem>>) semaphore(%arg17 : memref<!tpu.dma_semaphore, #tpu.memory_space<semaphore_mem>>)
      } else {
      }
      %dma_wait3A_67 = arith.constant 0 : i32
      %dma_wait3A_68 = arith.constant 0 : i32
      %dma_wait3A_69 = tpu.memref_slice %arg6[%dma_wait3A_67, %dma_wait3A_68] : memref<2x64xi32, #tpu.memory_space<vmem>> -> memref<1x64xi32, #tpu.memory_space<vmem>>
      %dma_wait3A_70 = tpu.memref_squeeze %dma_wait3A_69 : memref<1x64xi32, #tpu.memory_space<vmem>> -> memref<64xi32, #tpu.memory_space<vmem>>
      %dma_wait3A_71 = arith.constant 0 : i32
      %dma_wait3A_72 = arith.constant 0 : i32
      %dma_wait3A_73 = tpu.memref_slice %arg2[%dma_wait3A_71, %dma_wait3A_72] : memref<10000x144xf32, #tpu.memory_space<hbm>> -> memref<10000x144xf32, #tpu.memory_space<hbm>>
      tpu.wait_indirect_dma semaphore(%arg15 : memref<!tpu.dma_semaphore, #tpu.memory_space<semaphore_mem>>) src(%dma_wait3A_73 : memref<10000x144xf32, #tpu.memory_space<hbm>>) dst(%arg10 : memref<64x144xf32, #tpu.memory_space<vmem>>)
      %dma_start3A_74 = arith.constant 1 : i32
      %dma_start3A_75 = arith.constant 0 : i32
      %dma_start3A_76 = tpu.memref_slice %arg6[%dma_start3A_74, %dma_start3A_75] : memref<2x64xi32, #tpu.memory_space<vmem>> -> memref<1x64xi32, #tpu.memory_space<vmem>>
      %dma_start3A_77 = tpu.memref_squeeze %dma_start3A_76 : memref<1x64xi32, #tpu.memory_space<vmem>> -> memref<64xi32, #tpu.memory_space<vmem>>
      %dma_start3A_78 = arith.constant 0 : i32
      %dma_start3A_79 = arith.constant 0 : i32
      %dma_start3A_80 = tpu.memref_slice %arg14[%dma_start3A_78, %dma_start3A_79] : memref<10240x144xf32, #tpu.memory_space<vmem_shared>> -> memref<10240x144xf32, #tpu.memory_space<vmem_shared>>
      tpu.enqueue_indirect_dma source(%arg10 : memref<64x144xf32, #tpu.memory_space<vmem>>) target(%dma_start3A_80 : memref<10240x144xf32, #tpu.memory_space<vmem_shared>>) offsets(%dma_start3A_77 : memref<64xi32, #tpu.memory_space<vmem>>) semaphore(%arg19 : memref<!tpu.dma_semaphore, #tpu.memory_space<semaphore_mem>>) {add = true}
      %mul3A_81 = arith.constant 4 : i32
      %mul3A_82 = arith.muli %mul3A_81, %scan3A_50 : i32
      %add3A_83 = arith.constant 1 : i32
      %add3A_84 = arith.addi %mul3A_82, %add3A_83 : i32
      %ge3A_85 = arith.constant 2 : i32
      %ge3A_86 = arith.cmpi sge, %add3A_84, %ge3A_85 : i32
      %add3A_87 = arith.constant 2 : i32
      %add3A_88 = arith.addi %add3A_84, %add3A_87 : i32
      %lt3A_89 = arith.constant 160 : i32
      %lt3A_90 = arith.cmpi slt, %add3A_88, %lt3A_89 : i32
      %and3A_91 = arith.andi %ge3A_86, %lt3A_90 : i1
      %convert_element_type3A_92 = arith.extui %and3A_91 : i1 to i32
      %cond3A_93 = arith.constant 0 : i32
      %cond3A_94 = arith.cmpi ne, %convert_element_type3A_92, %cond3A_93 : i32
      scf.if %cond3A_94 {
        %dma_wait3A_186 = arith.constant 1 : i32
        %dma_wait3A_187 = arith.constant 0 : i32
        %dma_wait3A_188 = tpu.memref_slice %arg9[%dma_wait3A_186, %dma_wait3A_187] : memref<2x64xi32, #tpu.memory_space<vmem>> -> memref<1x64xi32, #tpu.memory_space<vmem>>
        %dma_wait3A_189 = tpu.memref_squeeze %dma_wait3A_188 : memref<1x64xi32, #tpu.memory_space<vmem>> -> memref<64xi32, #tpu.memory_space<vmem>>
        %dma_wait3A_190 = arith.constant 0 : i32
        %dma_wait3A_191 = arith.constant 0 : i32
        %dma_wait3A_192 = tpu.memref_slice %arg14[%dma_wait3A_190, %dma_wait3A_191] : memref<10240x144xf32, #tpu.memory_space<vmem_shared>> -> memref<10240x144xf32, #tpu.memory_space<vmem_shared>>
        tpu.wait_indirect_dma semaphore(%arg22 : memref<!tpu.dma_semaphore, #tpu.memory_space<semaphore_mem>>) src(%arg13 : memref<64x144xf32, #tpu.memory_space<vmem>>) dst(%dma_wait3A_192 : memref<10240x144xf32, #tpu.memory_space<vmem_shared>>)
      } else {
      }
      %add3A_95 = arith.constant 2 : i32
      %add3A_96 = arith.addi %add3A_84, %add3A_95 : i32
      %lt3A_97 = arith.constant 160 : i32
      %lt3A_98 = arith.cmpi slt, %add3A_96, %lt3A_97 : i32
      %convert_element_type3A_99 = arith.extui %lt3A_98 : i1 to i32
      %cond3A_100 = arith.constant 0 : i32
      %cond3A_101 = arith.cmpi ne, %convert_element_type3A_99, %cond3A_100 : i32
      scf.if %cond3A_101 {
        %add3A_186 = arith.constant 2 : i32
        %add3A_187 = arith.addi %add3A_84, %add3A_186 : i32
        "tpu.region"() ({
          %run_scoped3A_195 = tpu.sem_alloc : memref<!tpu.dma_semaphore, #tpu.memory_space<semaphore_mem>>
          %dma_start3A_196 = arith.constant 0 : i32
          %dma_start3A_197 = arith.constant 0 : i32
          %dma_start3A_198 = tpu.memref_slice %arg3[%add3A, %add3A_187, %dma_start3A_196, %dma_start3A_197] : memref<32x160x2x64xi32, #tpu.memory_space<hbm>> -> memref<1x1x2x64xi32, #tpu.memory_space<hbm>>
          %dma_start3A_199 = tpu.memref_squeeze %dma_start3A_198 : memref<1x1x2x64xi32, #tpu.memory_space<hbm>> -> memref<2x64xi32, #tpu.memory_space<hbm>>
          %dma_start3A_200 = arith.constant 0 : i32
          %dma_start3A_201 = arith.constant 0 : i32
          %dma_start3A_202 = tpu.memref_slice %arg3[%add3A, %add3A_187, %dma_start3A_200, %dma_start3A_201] : memref<32x160x2x64xi32, #tpu.memory_space<hbm>> -> memref<1x1x2x64xi32, #tpu.memory_space<hbm>>
          %dma_start3A_203 = tpu.memref_squeeze %dma_start3A_202 : memref<1x1x2x64xi32, #tpu.memory_space<hbm>> -> memref<2x64xi32, #tpu.memory_space<hbm>>
          tpu.enqueue_dma source(%dma_start3A_203 : memref<2x64xi32, #tpu.memory_space<hbm>>) target(%arg9 : memref<2x64xi32, #tpu.memory_space<vmem>>) target_semaphore(%run_scoped3A_195 : memref<!tpu.dma_semaphore, #tpu.memory_space<semaphore_mem>>)
          %dma_wait3A_204 = arith.constant 0 : i32
          %dma_wait3A_205 = arith.constant 0 : i32
          %dma_wait3A_206 = tpu.memref_slice %arg3[%add3A, %add3A_187, %dma_wait3A_204, %dma_wait3A_205] : memref<32x160x2x64xi32, #tpu.memory_space<hbm>> -> memref<1x1x2x64xi32, #tpu.memory_space<hbm>>
          %dma_wait3A_207 = tpu.memref_squeeze %dma_wait3A_206 : memref<1x1x2x64xi32, #tpu.memory_space<hbm>> -> memref<2x64xi32, #tpu.memory_space<hbm>>
          %dma_wait3A_208 = arith.constant 0 : i32
          %dma_wait3A_209 = arith.constant 0 : i32
          %dma_wait3A_210 = tpu.memref_slice %arg3[%add3A, %add3A_187, %dma_wait3A_208, %dma_wait3A_209] : memref<32x160x2x64xi32, #tpu.memory_space<hbm>> -> memref<1x1x2x64xi32, #tpu.memory_space<hbm>>
          %dma_wait3A_211 = tpu.memref_squeeze %dma_wait3A_210 : memref<1x1x2x64xi32, #tpu.memory_space<hbm>> -> memref<2x64xi32, #tpu.memory_space<hbm>>
          tpu.wait_dma2 semaphore(%run_scoped3A_195 : memref<!tpu.dma_semaphore, #tpu.memory_space<semaphore_mem>>) src(%dma_wait3A_211 : memref<2x64xi32, #tpu.memory_space<hbm>>) dst(%arg9 : memref<2x64xi32, #tpu.memory_space<vmem>>)
          tpu.yield
        }) : () -> ()
        %dma_start3A_188 = arith.constant 0 : i32
        %dma_start3A_189 = arith.constant 0 : i32
        %dma_start3A_190 = tpu.memref_slice %arg9[%dma_start3A_188, %dma_start3A_189] : memref<2x64xi32, #tpu.memory_space<vmem>> -> memref<1x64xi32, #tpu.memory_space<vmem>>
        %dma_start3A_191 = tpu.memref_squeeze %dma_start3A_190 : memref<1x64xi32, #tpu.memory_space<vmem>> -> memref<64xi32, #tpu.memory_space<vmem>>
        %dma_start3A_192 = arith.constant 0 : i32
        %dma_start3A_193 = arith.constant 0 : i32
        %dma_start3A_194 = tpu.memref_slice %arg2[%dma_start3A_192, %dma_start3A_193] : memref<10000x144xf32, #tpu.memory_space<hbm>> -> memref<10000x144xf32, #tpu.memory_space<hbm>>
        tpu.enqueue_indirect_dma source(%dma_start3A_194 : memref<10000x144xf32, #tpu.memory_space<hbm>>) target(%arg13 : memref<64x144xf32, #tpu.memory_space<vmem>>) offsets(%dma_start3A_191 : memref<64xi32, #tpu.memory_space<vmem>>) semaphore(%arg18 : memref<!tpu.dma_semaphore, #tpu.memory_space<semaphore_mem>>)
      } else {
      }
      %dma_wait3A_102 = arith.constant 0 : i32
      %dma_wait3A_103 = arith.constant 0 : i32
      %dma_wait3A_104 = tpu.memref_slice %arg7[%dma_wait3A_102, %dma_wait3A_103] : memref<2x64xi32, #tpu.memory_space<vmem>> -> memref<1x64xi32, #tpu.memory_space<vmem>>
      %dma_wait3A_105 = tpu.memref_squeeze %dma_wait3A_104 : memref<1x64xi32, #tpu.memory_space<vmem>> -> memref<64xi32, #tpu.memory_space<vmem>>
      %dma_wait3A_106 = arith.constant 0 : i32
      %dma_wait3A_107 = arith.constant 0 : i32
      %dma_wait3A_108 = tpu.memref_slice %arg2[%dma_wait3A_106, %dma_wait3A_107] : memref<10000x144xf32, #tpu.memory_space<hbm>> -> memref<10000x144xf32, #tpu.memory_space<hbm>>
      tpu.wait_indirect_dma semaphore(%arg16 : memref<!tpu.dma_semaphore, #tpu.memory_space<semaphore_mem>>) src(%dma_wait3A_108 : memref<10000x144xf32, #tpu.memory_space<hbm>>) dst(%arg11 : memref<64x144xf32, #tpu.memory_space<vmem>>)
      %dma_start3A_109 = arith.constant 1 : i32
      %dma_start3A_110 = arith.constant 0 : i32
      %dma_start3A_111 = tpu.memref_slice %arg7[%dma_start3A_109, %dma_start3A_110] : memref<2x64xi32, #tpu.memory_space<vmem>> -> memref<1x64xi32, #tpu.memory_space<vmem>>
      %dma_start3A_112 = tpu.memref_squeeze %dma_start3A_111 : memref<1x64xi32, #tpu.memory_space<vmem>> -> memref<64xi32, #tpu.memory_space<vmem>>
      %dma_start3A_113 = arith.constant 0 : i32
      %dma_start3A_114 = arith.constant 0 : i32
      %dma_start3A_115 = tpu.memref_slice %arg14[%dma_start3A_113, %dma_start3A_114] : memref<10240x144xf32, #tpu.memory_space<vmem_shared>> -> memref<10240x144xf32, #tpu.memory_space<vmem_shared>>
      tpu.enqueue_indirect_dma source(%arg11 : memref<64x144xf32, #tpu.memory_space<vmem>>) target(%dma_start3A_115 : memref<10240x144xf32, #tpu.memory_space<vmem_shared>>) offsets(%dma_start3A_112 : memref<64xi32, #tpu.memory_space<vmem>>) semaphore(%arg20 : memref<!tpu.dma_semaphore, #tpu.memory_space<semaphore_mem>>) {add = true}
      %mul3A_116 = arith.constant 4 : i32
      %mul3A_117 = arith.muli %mul3A_116, %scan3A_50 : i32
      %add3A_118 = arith.constant 2 : i32
      %add3A_119 = arith.addi %mul3A_117, %add3A_118 : i32
      %ge3A_120 = arith.constant 2 : i32
      %ge3A_121 = arith.cmpi sge, %add3A_119, %ge3A_120 : i32
      %add3A_122 = arith.constant 2 : i32
      %add3A_123 = arith.addi %add3A_119, %add3A_122 : i32
      %lt3A_124 = arith.constant 160 : i32
      %lt3A_125 = arith.cmpi slt, %add3A_123, %lt3A_124 : i32
      %and3A_126 = arith.andi %ge3A_121, %lt3A_125 : i1
      %convert_element_type3A_127 = arith.extui %and3A_126 : i1 to i32
      %cond3A_128 = arith.constant 0 : i32
      %cond3A_129 = arith.cmpi ne, %convert_element_type3A_127, %cond3A_128 : i32
      scf.if %cond3A_129 {
        %dma_wait3A_186 = arith.constant 1 : i32
        %dma_wait3A_187 = arith.constant 0 : i32
        %dma_wait3A_188 = tpu.memref_slice %arg6[%dma_wait3A_186, %dma_wait3A_187] : memref<2x64xi32, #tpu.memory_space<vmem>> -> memref<1x64xi32, #tpu.memory_space<vmem>>
        %dma_wait3A_189 = tpu.memref_squeeze %dma_wait3A_188 : memref<1x64xi32, #tpu.memory_space<vmem>> -> memref<64xi32, #tpu.memory_space<vmem>>
        %dma_wait3A_190 = arith.constant 0 : i32
        %dma_wait3A_191 = arith.constant 0 : i32
        %dma_wait3A_192 = tpu.memref_slice %arg14[%dma_wait3A_190, %dma_wait3A_191] : memref<10240x144xf32, #tpu.memory_space<vmem_shared>> -> memref<10240x144xf32, #tpu.memory_space<vmem_shared>>
        tpu.wait_indirect_dma semaphore(%arg19 : memref<!tpu.dma_semaphore, #tpu.memory_space<semaphore_mem>>) src(%arg10 : memref<64x144xf32, #tpu.memory_space<vmem>>) dst(%dma_wait3A_192 : memref<10240x144xf32, #tpu.memory_space<vmem_shared>>)
      } else {
      }
      %add3A_130 = arith.constant 2 : i32
      %add3A_131 = arith.addi %add3A_119, %add3A_130 : i32
      %lt3A_132 = arith.constant 160 : i32
      %lt3A_133 = arith.cmpi slt, %add3A_131, %lt3A_132 : i32
      %convert_element_type3A_134 = arith.extui %lt3A_133 : i1 to i32
      %cond3A_135 = arith.constant 0 : i32
      %cond3A_136 = arith.cmpi ne, %convert_element_type3A_134, %cond3A_135 : i32
      scf.if %cond3A_136 {
        %add3A_186 = arith.constant 2 : i32
        %add3A_187 = arith.addi %add3A_119, %add3A_186 : i32
        "tpu.region"() ({
          %run_scoped3A_195 = tpu.sem_alloc : memref<!tpu.dma_semaphore, #tpu.memory_space<semaphore_mem>>
          %dma_start3A_196 = arith.constant 0 : i32
          %dma_start3A_197 = arith.constant 0 : i32
          %dma_start3A_198 = tpu.memref_slice %arg3[%add3A, %add3A_187, %dma_start3A_196, %dma_start3A_197] : memref<32x160x2x64xi32, #tpu.memory_space<hbm>> -> memref<1x1x2x64xi32, #tpu.memory_space<hbm>>
          %dma_start3A_199 = tpu.memref_squeeze %dma_start3A_198 : memref<1x1x2x64xi32, #tpu.memory_space<hbm>> -> memref<2x64xi32, #tpu.memory_space<hbm>>
          %dma_start3A_200 = arith.constant 0 : i32
          %dma_start3A_201 = arith.constant 0 : i32
          %dma_start3A_202 = tpu.memref_slice %arg3[%add3A, %add3A_187, %dma_start3A_200, %dma_start3A_201] : memref<32x160x2x64xi32, #tpu.memory_space<hbm>> -> memref<1x1x2x64xi32, #tpu.memory_space<hbm>>
          %dma_start3A_203 = tpu.memref_squeeze %dma_start3A_202 : memref<1x1x2x64xi32, #tpu.memory_space<hbm>> -> memref<2x64xi32, #tpu.memory_space<hbm>>
          tpu.enqueue_dma source(%dma_start3A_203 : memref<2x64xi32, #tpu.memory_space<hbm>>) target(%arg6 : memref<2x64xi32, #tpu.memory_space<vmem>>) target_semaphore(%run_scoped3A_195 : memref<!tpu.dma_semaphore, #tpu.memory_space<semaphore_mem>>)
          %dma_wait3A_204 = arith.constant 0 : i32
          %dma_wait3A_205 = arith.constant 0 : i32
          %dma_wait3A_206 = tpu.memref_slice %arg3[%add3A, %add3A_187, %dma_wait3A_204, %dma_wait3A_205] : memref<32x160x2x64xi32, #tpu.memory_space<hbm>> -> memref<1x1x2x64xi32, #tpu.memory_space<hbm>>
          %dma_wait3A_207 = tpu.memref_squeeze %dma_wait3A_206 : memref<1x1x2x64xi32, #tpu.memory_space<hbm>> -> memref<2x64xi32, #tpu.memory_space<hbm>>
          %dma_wait3A_208 = arith.constant 0 : i32
          %dma_wait3A_209 = arith.constant 0 : i32
          %dma_wait3A_210 = tpu.memref_slice %arg3[%add3A, %add3A_187, %dma_wait3A_208, %dma_wait3A_209] : memref<32x160x2x64xi32, #tpu.memory_space<hbm>> -> memref<1x1x2x64xi32, #tpu.memory_space<hbm>>
          %dma_wait3A_211 = tpu.memref_squeeze %dma_wait3A_210 : memref<1x1x2x64xi32, #tpu.memory_space<hbm>> -> memref<2x64xi32, #tpu.memory_space<hbm>>
          tpu.wait_dma2 semaphore(%run_scoped3A_195 : memref<!tpu.dma_semaphore, #tpu.memory_space<semaphore_mem>>) src(%dma_wait3A_211 : memref<2x64xi32, #tpu.memory_space<hbm>>) dst(%arg6 : memref<2x64xi32, #tpu.memory_space<vmem>>)
          tpu.yield
        }) : () -> ()
        %dma_start3A_188 = arith.constant 0 : i32
        %dma_start3A_189 = arith.constant 0 : i32
        %dma_start3A_190 = tpu.memref_slice %arg6[%dma_start3A_188, %dma_start3A_189] : memref<2x64xi32, #tpu.memory_space<vmem>> -> memref<1x64xi32, #tpu.memory_space<vmem>>
        %dma_start3A_191 = tpu.memref_squeeze %dma_start3A_190 : memref<1x64xi32, #tpu.memory_space<vmem>> -> memref<64xi32, #tpu.memory_space<vmem>>
        %dma_start3A_192 = arith.constant 0 : i32
        %dma_start3A_193 = arith.constant 0 : i32
        %dma_start3A_194 = tpu.memref_slice %arg2[%dma_start3A_192, %dma_start3A_193] : memref<10000x144xf32, #tpu.memory_space<hbm>> -> memref<10000x144xf32, #tpu.memory_space<hbm>>
        tpu.enqueue_indirect_dma source(%dma_start3A_194 : memref<10000x144xf32, #tpu.memory_space<hbm>>) target(%arg10 : memref<64x144xf32, #tpu.memory_space<vmem>>) offsets(%dma_start3A_191 : memref<64xi32, #tpu.memory_space<vmem>>) semaphore(%arg15 : memref<!tpu.dma_semaphore, #tpu.memory_space<semaphore_mem>>)
      } else {
      }
      %dma_wait3A_137 = arith.constant 0 : i32
      %dma_wait3A_138 = arith.constant 0 : i32
      %dma_wait3A_139 = tpu.memref_slice %arg8[%dma_wait3A_137, %dma_wait3A_138] : memref<2x64xi32, #tpu.memory_space<vmem>> -> memref<1x64xi32, #tpu.memory_space<vmem>>
      %dma_wait3A_140 = tpu.memref_squeeze %dma_wait3A_139 : memref<1x64xi32, #tpu.memory_space<vmem>> -> memref<64xi32, #tpu.memory_space<vmem>>
      %dma_wait3A_141 = arith.constant 0 : i32
      %dma_wait3A_142 = arith.constant 0 : i32
      %dma_wait3A_143 = tpu.memref_slice %arg2[%dma_wait3A_141, %dma_wait3A_142] : memref<10000x144xf32, #tpu.memory_space<hbm>> -> memref<10000x144xf32, #tpu.memory_space<hbm>>
      tpu.wait_indirect_dma semaphore(%arg17 : memref<!tpu.dma_semaphore, #tpu.memory_space<semaphore_mem>>) src(%dma_wait3A_143 : memref<10000x144xf32, #tpu.memory_space<hbm>>) dst(%arg12 : memref<64x144xf32, #tpu.memory_space<vmem>>)
      %dma_start3A_144 = arith.constant 1 : i32
      %dma_start3A_145 = arith.constant 0 : i32
      %dma_start3A_146 = tpu.memref_slice %arg8[%dma_start3A_144, %dma_start3A_145] : memref<2x64xi32, #tpu.memory_space<vmem>> -> memref<1x64xi32, #tpu.memory_space<vmem>>
      %dma_start3A_147 = tpu.memref_squeeze %dma_start3A_146 : memref<1x64xi32, #tpu.memory_space<vmem>> -> memref<64xi32, #tpu.memory_space<vmem>>
      %dma_start3A_148 = arith.constant 0 : i32
      %dma_start3A_149 = arith.constant 0 : i32
      %dma_start3A_150 = tpu.memref_slice %arg14[%dma_start3A_148, %dma_start3A_149] : memref<10240x144xf32, #tpu.memory_space<vmem_shared>> -> memref<10240x144xf32, #tpu.memory_space<vmem_shared>>
      tpu.enqueue_indirect_dma source(%arg12 : memref<64x144xf32, #tpu.memory_space<vmem>>) target(%dma_start3A_150 : memref<10240x144xf32, #tpu.memory_space<vmem_shared>>) offsets(%dma_start3A_147 : memref<64xi32, #tpu.memory_space<vmem>>) semaphore(%arg21 : memref<!tpu.dma_semaphore, #tpu.memory_space<semaphore_mem>>) {add = true}
      %mul3A_151 = arith.constant 4 : i32
      %mul3A_152 = arith.muli %mul3A_151, %scan3A_50 : i32
      %add3A_153 = arith.constant 3 : i32
      %add3A_154 = arith.addi %mul3A_152, %add3A_153 : i32
      %ge3A_155 = arith.constant 2 : i32
      %ge3A_156 = arith.cmpi sge, %add3A_154, %ge3A_155 : i32
      %add3A_157 = arith.constant 2 : i32
      %add3A_158 = arith.addi %add3A_154, %add3A_157 : i32
      %lt3A_159 = arith.constant 160 : i32
      %lt3A_160 = arith.cmpi slt, %add3A_158, %lt3A_159 : i32
      %and3A_161 = arith.andi %ge3A_156, %lt3A_160 : i1
      %convert_element_type3A_162 = arith.extui %and3A_161 : i1 to i32
      %cond3A_163 = arith.constant 0 : i32
      %cond3A_164 = arith.cmpi ne, %convert_element_type3A_162, %cond3A_163 : i32
      scf.if %cond3A_164 {
        %dma_wait3A_186 = arith.constant 1 : i32
        %dma_wait3A_187 = arith.constant 0 : i32
        %dma_wait3A_188 = tpu.memref_slice %arg7[%dma_wait3A_186, %dma_wait3A_187] : memref<2x64xi32, #tpu.memory_space<vmem>> -> memref<1x64xi32, #tpu.memory_space<vmem>>
        %dma_wait3A_189 = tpu.memref_squeeze %dma_wait3A_188 : memref<1x64xi32, #tpu.memory_space<vmem>> -> memref<64xi32, #tpu.memory_space<vmem>>
        %dma_wait3A_190 = arith.constant 0 : i32
        %dma_wait3A_191 = arith.constant 0 : i32
        %dma_wait3A_192 = tpu.memref_slice %arg14[%dma_wait3A_190, %dma_wait3A_191] : memref<10240x144xf32, #tpu.memory_space<vmem_shared>> -> memref<10240x144xf32, #tpu.memory_space<vmem_shared>>
        tpu.wait_indirect_dma semaphore(%arg20 : memref<!tpu.dma_semaphore, #tpu.memory_space<semaphore_mem>>) src(%arg11 : memref<64x144xf32, #tpu.memory_space<vmem>>) dst(%dma_wait3A_192 : memref<10240x144xf32, #tpu.memory_space<vmem_shared>>)
      } else {
      }
      %add3A_165 = arith.constant 2 : i32
      %add3A_166 = arith.addi %add3A_154, %add3A_165 : i32
      %lt3A_167 = arith.constant 160 : i32
      %lt3A_168 = arith.cmpi slt, %add3A_166, %lt3A_167 : i32
      %convert_element_type3A_169 = arith.extui %lt3A_168 : i1 to i32
      %cond3A_170 = arith.constant 0 : i32
      %cond3A_171 = arith.cmpi ne, %convert_element_type3A_169, %cond3A_170 : i32
      scf.if %cond3A_171 {
        %add3A_186 = arith.constant 2 : i32
        %add3A_187 = arith.addi %add3A_154, %add3A_186 : i32
        "tpu.region"() ({
          %run_scoped3A_195 = tpu.sem_alloc : memref<!tpu.dma_semaphore, #tpu.memory_space<semaphore_mem>>
          %dma_start3A_196 = arith.constant 0 : i32
          %dma_start3A_197 = arith.constant 0 : i32
          %dma_start3A_198 = tpu.memref_slice %arg3[%add3A, %add3A_187, %dma_start3A_196, %dma_start3A_197] : memref<32x160x2x64xi32, #tpu.memory_space<hbm>> -> memref<1x1x2x64xi32, #tpu.memory_space<hbm>>
          %dma_start3A_199 = tpu.memref_squeeze %dma_start3A_198 : memref<1x1x2x64xi32, #tpu.memory_space<hbm>> -> memref<2x64xi32, #tpu.memory_space<hbm>>
          %dma_start3A_200 = arith.constant 0 : i32
          %dma_start3A_201 = arith.constant 0 : i32
          %dma_start3A_202 = tpu.memref_slice %arg3[%add3A, %add3A_187, %dma_start3A_200, %dma_start3A_201] : memref<32x160x2x64xi32, #tpu.memory_space<hbm>> -> memref<1x1x2x64xi32, #tpu.memory_space<hbm>>
          %dma_start3A_203 = tpu.memref_squeeze %dma_start3A_202 : memref<1x1x2x64xi32, #tpu.memory_space<hbm>> -> memref<2x64xi32, #tpu.memory_space<hbm>>
          tpu.enqueue_dma source(%dma_start3A_203 : memref<2x64xi32, #tpu.memory_space<hbm>>) target(%arg7 : memref<2x64xi32, #tpu.memory_space<vmem>>) target_semaphore(%run_scoped3A_195 : memref<!tpu.dma_semaphore, #tpu.memory_space<semaphore_mem>>)
          %dma_wait3A_204 = arith.constant 0 : i32
          %dma_wait3A_205 = arith.constant 0 : i32
          %dma_wait3A_206 = tpu.memref_slice %arg3[%add3A, %add3A_187, %dma_wait3A_204, %dma_wait3A_205] : memref<32x160x2x64xi32, #tpu.memory_space<hbm>> -> memref<1x1x2x64xi32, #tpu.memory_space<hbm>>
          %dma_wait3A_207 = tpu.memref_squeeze %dma_wait3A_206 : memref<1x1x2x64xi32, #tpu.memory_space<hbm>> -> memref<2x64xi32, #tpu.memory_space<hbm>>
          %dma_wait3A_208 = arith.constant 0 : i32
          %dma_wait3A_209 = arith.constant 0 : i32
          %dma_wait3A_210 = tpu.memref_slice %arg3[%add3A, %add3A_187, %dma_wait3A_208, %dma_wait3A_209] : memref<32x160x2x64xi32, #tpu.memory_space<hbm>> -> memref<1x1x2x64xi32, #tpu.memory_space<hbm>>
          %dma_wait3A_211 = tpu.memref_squeeze %dma_wait3A_210 : memref<1x1x2x64xi32, #tpu.memory_space<hbm>> -> memref<2x64xi32, #tpu.memory_space<hbm>>
          tpu.wait_dma2 semaphore(%run_scoped3A_195 : memref<!tpu.dma_semaphore, #tpu.memory_space<semaphore_mem>>) src(%dma_wait3A_211 : memref<2x64xi32, #tpu.memory_space<hbm>>) dst(%arg7 : memref<2x64xi32, #tpu.memory_space<vmem>>)
          tpu.yield
        }) : () -> ()
        %dma_start3A_188 = arith.constant 0 : i32
        %dma_start3A_189 = arith.constant 0 : i32
        %dma_start3A_190 = tpu.memref_slice %arg7[%dma_start3A_188, %dma_start3A_189] : memref<2x64xi32, #tpu.memory_space<vmem>> -> memref<1x64xi32, #tpu.memory_space<vmem>>
        %dma_start3A_191 = tpu.memref_squeeze %dma_start3A_190 : memref<1x64xi32, #tpu.memory_space<vmem>> -> memref<64xi32, #tpu.memory_space<vmem>>
        %dma_start3A_192 = arith.constant 0 : i32
        %dma_start3A_193 = arith.constant 0 : i32
        %dma_start3A_194 = tpu.memref_slice %arg2[%dma_start3A_192, %dma_start3A_193] : memref<10000x144xf32, #tpu.memory_space<hbm>> -> memref<10000x144xf32, #tpu.memory_space<hbm>>
        tpu.enqueue_indirect_dma source(%dma_start3A_194 : memref<10000x144xf32, #tpu.memory_space<hbm>>) target(%arg11 : memref<64x144xf32, #tpu.memory_space<vmem>>) offsets(%dma_start3A_191 : memref<64xi32, #tpu.memory_space<vmem>>) semaphore(%arg16 : memref<!tpu.dma_semaphore, #tpu.memory_space<semaphore_mem>>)
      } else {
      }
      %dma_wait3A_172 = arith.constant 0 : i32
      %dma_wait3A_173 = arith.constant 0 : i32
      %dma_wait3A_174 = tpu.memref_slice %arg9[%dma_wait3A_172, %dma_wait3A_173] : memref<2x64xi32, #tpu.memory_space<vmem>> -> memref<1x64xi32, #tpu.memory_space<vmem>>
      %dma_wait3A_175 = tpu.memref_squeeze %dma_wait3A_174 : memref<1x64xi32, #tpu.memory_space<vmem>> -> memref<64xi32, #tpu.memory_space<vmem>>
      %dma_wait3A_176 = arith.constant 0 : i32
      %dma_wait3A_177 = arith.constant 0 : i32
      %dma_wait3A_178 = tpu.memref_slice %arg2[%dma_wait3A_176, %dma_wait3A_177] : memref<10000x144xf32, #tpu.memory_space<hbm>> -> memref<10000x144xf32, #tpu.memory_space<hbm>>
      tpu.wait_indirect_dma semaphore(%arg18 : memref<!tpu.dma_semaphore, #tpu.memory_space<semaphore_mem>>) src(%dma_wait3A_178 : memref<10000x144xf32, #tpu.memory_space<hbm>>) dst(%arg13 : memref<64x144xf32, #tpu.memory_space<vmem>>)
      %dma_start3A_179 = arith.constant 1 : i32
      %dma_start3A_180 = arith.constant 0 : i32
      %dma_start3A_181 = tpu.memref_slice %arg9[%dma_start3A_179, %dma_start3A_180] : memref<2x64xi32, #tpu.memory_space<vmem>> -> memref<1x64xi32, #tpu.memory_space<vmem>>
      %dma_start3A_182 = tpu.memref_squeeze %dma_start3A_181 : memref<1x64xi32, #tpu.memory_space<vmem>> -> memref<64xi32, #tpu.memory_space<vmem>>
      %dma_start3A_183 = arith.constant 0 : i32
      %dma_start3A_184 = arith.constant 0 : i32
      %dma_start3A_185 = tpu.memref_slice %arg14[%dma_start3A_183, %dma_start3A_184] : memref<10240x144xf32, #tpu.memory_space<vmem_shared>> -> memref<10240x144xf32, #tpu.memory_space<vmem_shared>>
      tpu.enqueue_indirect_dma source(%arg13 : memref<64x144xf32, #tpu.memory_space<vmem>>) target(%dma_start3A_185 : memref<10240x144xf32, #tpu.memory_space<vmem_shared>>) offsets(%dma_start3A_182 : memref<64xi32, #tpu.memory_space<vmem>>) semaphore(%arg22 : memref<!tpu.dma_semaphore, #tpu.memory_space<semaphore_mem>>) {add = true}
    }
    %scan3A_21 = arith.constant 40 : i32
    %dma_wait3A = arith.constant 1 : i32
    %dma_wait3A_22 = arith.constant 0 : i32
    %dma_wait3A_23 = tpu.memref_slice %arg6[%dma_wait3A, %dma_wait3A_22] : memref<2x64xi32, #tpu.memory_space<vmem>> -> memref<1x64xi32, #tpu.memory_space<vmem>>
    %dma_wait3A_24 = tpu.memref_squeeze %dma_wait3A_23 : memref<1x64xi32, #tpu.memory_space<vmem>> -> memref<64xi32, #tpu.memory_space<vmem>>
    %dma_wait3A_25 = arith.constant 0 : i32
    %dma_wait3A_26 = arith.constant 0 : i32
    %dma_wait3A_27 = tpu.memref_slice %arg14[%dma_wait3A_25, %dma_wait3A_26] : memref<10240x144xf32, #tpu.memory_space<vmem_shared>> -> memref<10240x144xf32, #tpu.memory_space<vmem_shared>>
    tpu.wait_indirect_dma semaphore(%arg19 : memref<!tpu.dma_semaphore, #tpu.memory_space<semaphore_mem>>) src(%arg10 : memref<64x144xf32, #tpu.memory_space<vmem>>) dst(%dma_wait3A_27 : memref<10240x144xf32, #tpu.memory_space<vmem_shared>>)
    %dma_wait3A_28 = arith.constant 1 : i32
    %dma_wait3A_29 = arith.constant 0 : i32
    %dma_wait3A_30 = tpu.memref_slice %arg7[%dma_wait3A_28, %dma_wait3A_29] : memref<2x64xi32, #tpu.memory_space<vmem>> -> memref<1x64xi32, #tpu.memory_space<vmem>>
    %dma_wait3A_31 = tpu.memref_squeeze %dma_wait3A_30 : memref<1x64xi32, #tpu.memory_space<vmem>> -> memref<64xi32, #tpu.memory_space<vmem>>
    %dma_wait3A_32 = arith.constant 0 : i32
    %dma_wait3A_33 = arith.constant 0 : i32
    %dma_wait3A_34 = tpu.memref_slice %arg14[%dma_wait3A_32, %dma_wait3A_33] : memref<10240x144xf32, #tpu.memory_space<vmem_shared>> -> memref<10240x144xf32, #tpu.memory_space<vmem_shared>>
    tpu.wait_indirect_dma semaphore(%arg20 : memref<!tpu.dma_semaphore, #tpu.memory_space<semaphore_mem>>) src(%arg11 : memref<64x144xf32, #tpu.memory_space<vmem>>) dst(%dma_wait3A_34 : memref<10240x144xf32, #tpu.memory_space<vmem_shared>>)
    %dma_wait3A_35 = arith.constant 1 : i32
    %dma_wait3A_36 = arith.constant 0 : i32
    %dma_wait3A_37 = tpu.memref_slice %arg8[%dma_wait3A_35, %dma_wait3A_36] : memref<2x64xi32, #tpu.memory_space<vmem>> -> memref<1x64xi32, #tpu.memory_space<vmem>>
    %dma_wait3A_38 = tpu.memref_squeeze %dma_wait3A_37 : memref<1x64xi32, #tpu.memory_space<vmem>> -> memref<64xi32, #tpu.memory_space<vmem>>
    %dma_wait3A_39 = arith.constant 0 : i32
    %dma_wait3A_40 = arith.constant 0 : i32
    %dma_wait3A_41 = tpu.memref_slice %arg14[%dma_wait3A_39, %dma_wait3A_40] : memref<10240x144xf32, #tpu.memory_space<vmem_shared>> -> memref<10240x144xf32, #tpu.memory_space<vmem_shared>>
    tpu.wait_indirect_dma semaphore(%arg21 : memref<!tpu.dma_semaphore, #tpu.memory_space<semaphore_mem>>) src(%arg12 : memref<64x144xf32, #tpu.memory_space<vmem>>) dst(%dma_wait3A_41 : memref<10240x144xf32, #tpu.memory_space<vmem_shared>>)
    %dma_wait3A_42 = arith.constant 1 : i32
    %dma_wait3A_43 = arith.constant 0 : i32
    %dma_wait3A_44 = tpu.memref_slice %arg9[%dma_wait3A_42, %dma_wait3A_43] : memref<2x64xi32, #tpu.memory_space<vmem>> -> memref<1x64xi32, #tpu.memory_space<vmem>>
    %dma_wait3A_45 = tpu.memref_squeeze %dma_wait3A_44 : memref<1x64xi32, #tpu.memory_space<vmem>> -> memref<64xi32, #tpu.memory_space<vmem>>
    %dma_wait3A_46 = arith.constant 0 : i32
    %dma_wait3A_47 = arith.constant 0 : i32
    %dma_wait3A_48 = tpu.memref_slice %arg14[%dma_wait3A_46, %dma_wait3A_47] : memref<10240x144xf32, #tpu.memory_space<vmem_shared>> -> memref<10240x144xf32, #tpu.memory_space<vmem_shared>>
    tpu.wait_indirect_dma semaphore(%arg22 : memref<!tpu.dma_semaphore, #tpu.memory_space<semaphore_mem>>) src(%arg13 : memref<64x144xf32, #tpu.memory_space<vmem>>) dst(%dma_wait3A_48 : memref<10240x144xf32, #tpu.memory_space<vmem_shared>>)
    %barrier3A_49 = arith.constant 0 : index
    tpu.barrier barrier_id(%barrier3A_49)
    "tpu.region"() ({
      %run_scoped3A_50 = tpu.sem_alloc : memref<!tpu.dma_semaphore, #tpu.memory_space<semaphore_mem>>
      %dma_start3A_51 = arith.constant 0 : i32
      %dma_start3A_52 = tpu.memref_slice %arg5[%arg0, %mul3A_2, %dma_start3A_51] : memref<2x10240x144xf32, #tpu.memory_space<hbm>> -> memref<1x640x144xf32, #tpu.memory_space<hbm>>
      %dma_start3A_53 = tpu.memref_squeeze %dma_start3A_52 : memref<1x640x144xf32, #tpu.memory_space<hbm>> -> memref<640x144xf32, #tpu.memory_space<hbm>>
      %dma_start3A_54 = arith.constant 0 : i32
      %dma_start3A_55 = tpu.memref_slice %arg14[%mul3A_2, %dma_start3A_54] : memref<10240x144xf32, #tpu.memory_space<vmem_shared>> -> memref<640x144xf32, #tpu.memory_space<vmem_shared>>
      tpu.enqueue_dma source(%dma_start3A_55 : memref<640x144xf32, #tpu.memory_space<vmem_shared>>) target(%dma_start3A_53 : memref<640x144xf32, #tpu.memory_space<hbm>>) target_semaphore(%run_scoped3A_50 : memref<!tpu.dma_semaphore, #tpu.memory_space<semaphore_mem>>)
      %dma_wait3A_56 = arith.constant 0 : i32
      %dma_wait3A_57 = tpu.memref_slice %arg5[%arg0, %mul3A_2, %dma_wait3A_56] : memref<2x10240x144xf32, #tpu.memory_space<hbm>> -> memref<1x640x144xf32, #tpu.memory_space<hbm>>
      %dma_wait3A_58 = tpu.memref_squeeze %dma_wait3A_57 : memref<1x640x144xf32, #tpu.memory_space<hbm>> -> memref<640x144xf32, #tpu.memory_space<hbm>>
      %dma_wait3A_59 = arith.constant 0 : i32
      %dma_wait3A_60 = tpu.memref_slice %arg14[%mul3A_2, %dma_wait3A_59] : memref<10240x144xf32, #tpu.memory_space<vmem_shared>> -> memref<640x144xf32, #tpu.memory_space<vmem_shared>>
      tpu.wait_dma2 semaphore(%run_scoped3A_50 : memref<!tpu.dma_semaphore, #tpu.memory_space<semaphore_mem>>) src(%dma_wait3A_60 : memref<640x144xf32, #tpu.memory_space<vmem_shared>>) dst(%dma_wait3A_58 : memref<640x144xf32, #tpu.memory_space<hbm>>)
      tpu.yield
    }) : () -> ()
    return
  }
}

module attributes {stable_mosaic.version = 14 : i64} {
  func.func @_tc_body(%arg0: i32, %arg1: memref<1000x128xf32, #tpu.memory_space<vmem>>, %arg2: memref<1x1000x144xf32, #tpu.memory_space<vmem>>, %arg3: memref<1x1000x144xf32, #tpu.memory_space<vmem>>, %arg4: memref<256x128xf32, #tpu.memory_space<vmem>>, %arg5: memref<1x128xf32, #tpu.memory_space<vmem>>, %arg6: memref<1000x128xf32, #tpu.memory_space<vmem>>) attributes {dimension_semantics = [#tpu.dimension_semantics<arbitrary>], iteration_bounds = array<i64: 10>, scalar_prefetch = 0 : i64, scratch_operands = 0 : i64, tpu.core_type = #tpu.core_type<tc>, window_params = [{transform_indices = @transform_0, window_bounds = array<i64: 1000, 128>}, {transform_indices = @transform_1, window_bounds = array<i64: 1, 1000, 144>}, {transform_indices = @transform_2, window_bounds = array<i64: 1, 1000, 144>}, {pipeline_mode = #tpu.pipeline_mode<synchronous>, transform_indices = @transform_3, window_bounds = array<i64: 256, 128>}, {pipeline_mode = #tpu.pipeline_mode<synchronous>, transform_indices = @transform_4, window_bounds = array<i64: 1, 128>}, {transform_indices = @transform_5, window_bounds = array<i64: 1000, 128>}]} {
    %get3A = arith.constant 0 : index
    %get3A_0 = arith.constant 0 : index
    %get3A_1 = arith.constant 0 : index
    %get3A_2 = vector.load %arg2[%get3A, %get3A_0, %get3A_1] : memref<1x1000x144xf32, #tpu.memory_space<vmem>>, vector<1x1000x128xf32>
    %get3A_3 = vector.shape_cast %get3A_2 : vector<1x1000x128xf32> to vector<1000x128xf32>
    %get3A_4 = arith.constant 0 : index
    %get3A_5 = arith.constant 0 : index
    %get3A_6 = arith.constant 0 : index
    %get3A_7 = vector.load %arg3[%get3A_4, %get3A_5, %get3A_6] : memref<1x1000x144xf32, #tpu.memory_space<vmem>>, vector<1x1000x128xf32>
    %get3A_8 = vector.shape_cast %get3A_7 : vector<1x1000x128xf32> to vector<1000x128xf32>
    %add3A = arith.addf %get3A_3, %get3A_8 : vector<1000x128xf32>
    %get3A_9 = arith.constant 0 : index
    %get3A_10 = arith.constant 0 : index
    %get3A_11 = arith.constant 128 : index
    %get3A_12 = vector.load %arg2[%get3A_9, %get3A_10, %get3A_11] : memref<1x1000x144xf32, #tpu.memory_space<vmem>>, vector<1x1000x1xf32>
    %get3A_13 = vector.shape_cast %get3A_12 : vector<1x1000x1xf32> to vector<1000x1xf32>
    %get3A_14 = arith.constant 0 : index
    %get3A_15 = arith.constant 0 : index
    %get3A_16 = arith.constant 128 : index
    %get3A_17 = vector.load %arg3[%get3A_14, %get3A_15, %get3A_16] : memref<1x1000x144xf32, #tpu.memory_space<vmem>>, vector<1x1000x1xf32>
    %get3A_18 = vector.shape_cast %get3A_17 : vector<1x1000x1xf32> to vector<1000x1xf32>
    %add3A_19 = arith.addf %get3A_13, %get3A_18 : vector<1000x1xf32>
    %max3A = arith.constant 1.000000e+00 : f32
    %max3A_20 = vector.broadcast %max3A : f32 to vector<1000x1xf32>
    %max3A_21 = arith.maximumf %add3A_19, %max3A_20 : vector<1000x1xf32>
    %div3A = vector.broadcast %max3A_21 : vector<1000x1xf32> to vector<1000x128xf32>
    %div3A_22 = arith.divf %add3A, %div3A : vector<1000x128xf32>
    %get3A_23 = arith.constant 0 : index
    %get3A_24 = arith.constant 0 : index
    %get3A_25 = vector.load %arg1[%get3A_23, %get3A_24] : memref<1000x128xf32, #tpu.memory_space<vmem>>, vector<1000x128xf32>
    %get3A_26 = arith.constant 0 : index
    %get3A_27 = arith.constant 0 : index
    %get3A_28 = vector.load %arg4[%get3A_26, %get3A_27] : memref<256x128xf32, #tpu.memory_space<vmem>>, vector<128x128xf32>
    %dot_general3A = arith.constant dense<0.000000e+00> : vector<1000x128xf32>
    %dot_general3A_29 = tpu.matmul %get3A_25, %get3A_28, %dot_general3A {dimension_numbers = #tpu.dot_dimension_numbers<[1], [0], [0], [1], [0, 0, 1, 1], [], []>, transpose_lhs_hint = false} : vector<1000x128xf32>, vector<128x128xf32>, vector<1000x128xf32> -> vector<1000x128xf32>
    %get3A_30 = arith.constant 128 : index
    %get3A_31 = arith.constant 0 : index
    %get3A_32 = vector.load %arg4[%get3A_30, %get3A_31] : memref<256x128xf32, #tpu.memory_space<vmem>>, vector<128x128xf32>
    %dot_general3A_33 = arith.constant dense<0.000000e+00> : vector<1000x128xf32>
    %dot_general3A_34 = tpu.matmul %div3A_22, %get3A_32, %dot_general3A_33 {dimension_numbers = #tpu.dot_dimension_numbers<[1], [0], [0], [1], [0, 0, 1, 1], [], []>, transpose_lhs_hint = false} : vector<1000x128xf32>, vector<128x128xf32>, vector<1000x128xf32> -> vector<1000x128xf32>
    %add3A_35 = arith.addf %dot_general3A_29, %dot_general3A_34 : vector<1000x128xf32>
    %get3A_36 = arith.constant 0 : index
    %get3A_37 = arith.constant 0 : index
    %get3A_38 = vector.load %arg5[%get3A_36, %get3A_37] : memref<1x128xf32, #tpu.memory_space<vmem>>, vector<1x128xf32>
    %add3A_39 = vector.broadcast %get3A_38 : vector<1x128xf32> to vector<1000x128xf32>
    %add3A_40 = arith.addf %add3A_35, %add3A_39 : vector<1000x128xf32>
    %swap3A = arith.constant 0 : index
    %swap3A_41 = arith.constant 0 : index
    %swap3A_42 = vector.load %arg6[%swap3A, %swap3A_41] : memref<1000x128xf32, #tpu.memory_space<vmem>>, vector<1000x128xf32>
    tpu.vector_store %arg6[%swap3A, %swap3A_41], %add3A_40 {strides = array<i32>} : memref<1000x128xf32, #tpu.memory_space<vmem>>, vector<1000x128xf32>,
    return
  }
  func.func @transform_0(%arg0: i32) -> (i32, i32) {
    %c0_i32 = arith.constant 0 : i32
    %c0_i32_0 = arith.constant 0 : i32
    return %arg0, %c0_i32 : i32, i32
  }
  func.func @transform_1(%arg0: i32) -> (i32, i32, i32) {
    %c0_i32 = arith.constant 0 : i32
    %c0_i32_0 = arith.constant 0 : i32
    %c0_i32_1 = arith.constant 0 : i32
    return %c0_i32, %arg0, %c0_i32_0 : i32, i32, i32
  }
  func.func @transform_2(%arg0: i32) -> (i32, i32, i32) {
    %c1_i32 = arith.constant 1 : i32
    %c0_i32 = arith.constant 0 : i32
    %c0_i32_0 = arith.constant 0 : i32
    return %c1_i32, %arg0, %c0_i32 : i32, i32, i32
  }
  func.func @transform_3(%arg0: i32) -> (i32, i32) {
    %c0_i32 = arith.constant 0 : i32
    %c0_i32_0 = arith.constant 0 : i32
    %c0_i32_1 = arith.constant 0 : i32
    return %c0_i32, %c0_i32_0 : i32, i32
  }
  func.func @transform_4(%arg0: i32) -> (i32, i32) {
    %c0_i32 = arith.constant 0 : i32
    %c0_i32_0 = arith.constant 0 : i32
    %c0_i32_1 = arith.constant 0 : i32
    return %c0_i32, %c0_i32_0 : i32, i32
  }
  func.func @transform_5(%arg0: i32) -> (i32, i32) {
    %c0_i32 = arith.constant 0 : i32
    %c0_i32_0 = arith.constant 0 : i32
    return %arg0, %c0_i32 : i32, i32
  }
}

</mosaic_0001>

<sc_bundles>
// kernel: kernel.4.cloned.1.call-start
scs
__scs_entry_jumppad:
0x0: {  	(pc) =	sbr.rel $0x88, $3  }
0x1: {  	(tag) =	ssettag $0x0;
	lr =	simm.s32 $0x1  }
0x2: {  	[smem:$0x3F9D] =	sst lr;
	_ =	strace $0xD0000000  }
0x3: {  	_ = 	snop  }
0x4: {  	_ = 	snop  }
0x5: {  	_ = 	snop  }
0x6: {  	_ = 	snop  }
0x7: {  	_ = 	snop  }
__scs_overlays_trampoline_lowered:
0x8: {  	[smem:$0x3FAC] =	sst s0  }
0x9: {  	[smem:$0x3FAD] =	sst s1  }
0xa: {  	[smem:$0x3FAE] =	sst s2  }
0xb: {  	[smem:$0x3FAF] =	sst s3  }
0xc: {  	[smem:$0x3FB0] =	sst s4  }
0xd: {  	[smem:$0x3FB1] =	sst s5  }
0xe: {  	[smem:$0x3FB2] =	sst s6  }
0xf: {  	[smem:$0x3FB3] =	sst s7  }
0x10: {  	[smem:$0x3FB4] =	sst s8  }
0x11: {  	[smem:$0x3FB5] =	sst s9;
	s0 =	simm.s32 @!p0 $0x0  }
0x12: {  	s1 =	sld [smem:$0x3F9B];
	s0 =	simm.s32 @p0 $0x1  }
0x13: {  	[smem:$0x3FB6] =	sst s0;
	s0 =	simm.s32 @!p1 $0x0  }
0x14: {  	s2 =	sld [smem:$0x3F9A];
	s0 =	simm.s32 @p1 $0x1  }
0x15: {  	[smem:$0x3FB7] =	sst s0;
	s0 =	simm.s32 @!p2 $0x0  }
0x16: {  	s3 =	sld [smem:$0x3FDB];
	s0 =	simm.s32 @p2 $0x1  }
0x17: {  	s4 =	simm.s32 $0x1BF5;
	[smem:$0x3FB9] =	sst s0  }
0x18: {  	s0 =	sld [smem:$0x3F9C];
	_ =	swait.ge [sflag:s4], $0x0  }
0x19: {  	s7 =	sld [smem:$0x3F9D]  }
0x1a: {  	s8 =	sadd.s32 $0xFFFFE003, lr  }
0x1b: {  	s9 =	sadd.s32 $0xFFFFFEF7, lr;
	s5 =	simm.s32 $0xFFFFFFFF;
	p2 =	slt.u32 s8, $0xFFFFF086  }
0x1c: {  	p1 =	slt.u32 s9, $0xF7A;
	s5 =	simm.s32 @!p2 $0x0  }
0x1d: {  	s5 =	simm.s32 @p1 $0x1;
	p0 =	seq.s32 s7, s2  }
0x1e: {  	s7 =	smul.u32 @!p0 $0xF7A, s2;
	p2 =	seq.s32 @!p0 s5, $0x0  }
0x1f: {  	s9 =	smul.u32 $0xF7A, s1;
	s8 =	simm.s32 @!p0 $0x1BF5;
	p2 =	por !p2, p0  }
0x20: {  	[sflag:s8] =	ssyncset.s32 @!p0 $0xFFFFF086;
	s6 =	sadd.s32 @!p0 s3, s7;
	s7 =	simm.s32 @!p0 $0x108  }
0x21: {  	s3 =	sadd.s32 s3, s9;
	s6 =	sadd.s32 @!p0 $0x88, s6;
	s7 =	simm.s32 @p2 $0x1082  }
0x22: {  	[simem:s7], [sflag:s8] =	dma.local @!p0 [hbm:s6], $0xF7A  }
0x23: {  	s9 =	sor.u32 $0xD0000000, s2;
	s6 =	simm.s32 $0x108;
	_ =	swait.ge @!p0 [sflag:s8], $0x0  }
0x24: {  	s3 =	sadd.s32 $0x88, s3;
	s6 =	simm.s32 @!p1 $0x1082;
	[sflag:s4] =	ssyncset.s32 $0xFFFFF086  }
0x25: {  	[simem:s6], [sflag:s4] =	dma.local [hbm:s3], $0xF7A  }
0x26: {  	[smem:$0x3F9D] =	sst s1;
	(tag) =	ssettag s2;
	_ =	strace s9  }
0x27: {  	s1 =	sld [smem:$0x3FAD]  }
0x28: {  	s2 =	sld [smem:$0x3FAE]  }
0x29: {  	s4 =	sld [smem:$0x3FB0]  }
0x2a: {  	p0 =	seq.s32 s5, $0x0;
	s5 =	sld [smem:$0x3FB1]  }
0x2b: {  	s6 =	sld [smem:$0x3FB2]  }
0x2c: {  	s7 =	sld [smem:$0x3FB3]  }
0x2d: {  	s3 =	simm.s32 $0x108;
	s8 =	sld [smem:$0x3FB4]  }
0x2e: {  	s3 =	simm.s32 @!p0 $0x1082;
	s9 =	sld [smem:$0x3FB5]  }
0x2f: {  	lr =	sadd.s32 s0, s3;
	s0 =	sld [smem:$0x3FAC]  }
0x30: {  	s3 =	sld [smem:$0x3FAF]  }
0x31: {  	[smem:$0x3FB8] =	sst s10  }
0x32: {  	s10 =	sld [smem:$0x3FB6];
	_ =	sdelay $0x3  }
0x33: {  	p0 =	seq.s32 s10, $0x1;
	s10 =	sld [smem:$0x3FB8];
	_ =	sdelay $0x3  }
0x34: {  	[smem:$0x3FB8] =	sst s10  }
0x35: {  	s10 =	sld [smem:$0x3FB7];
	_ =	sdelay $0x3  }
0x36: {  	p1 =	seq.s32 s10, $0x1;
	s10 =	sld [smem:$0x3FB8];
	_ =	sdelay $0x3  }
0x37: {  	[smem:$0x3FB8] =	sst s10  }
0x38: {  	s10 =	sld [smem:$0x3FB9]  }
0x39: {  	_ = 	snop;
	(pc) =	sbr.ind lr, $3  }
0x3a: {  	_ = 	snop  }
0x3b: {  	_ = 	snop  }
0x3c: {  	p2 =	seq.s32 s10, $0x1;
	s10 =	sld [smem:$0x3FB8]  }
0x3d: {  	_ =	shalt  }
0x3e: {  	_ =	shalt  }
0x3f: {  	_ =	shalt  }
0x40: {  	_ =	shalt  }
0x41: {  	_ =	shalt  }
0x42: {  	_ =	shalt  }
0x43: {  	_ =	shalt  }
0x44: {  	_ =	shalt  }
0x45: {  	_ =	shalt  }
0x46: {  	_ =	shalt  }
0x47: {  	_ =	shalt  }
0x48: {  	_ =	shalt  }
0x49: {  	_ =	shalt  }
0x4a: {  	_ =	shalt  }
0x4b: {  	_ =	shalt  }
0x4c: {  	_ =	shalt  }
0x4d: {  	_ =	shalt  }
0x4e: {  	_ =	shalt  }
0x4f: {  	_ =	shalt  }
0x50: {  	_ =	shalt  }
0x51: {  	_ =	shalt  }
0x52: {  	_ =	shalt  }
0x53: {  	_ =	shalt  }
0x54: {  	_ =	shalt  }
0x55: {  	_ =	shalt  }
0x56: {  	_ =	shalt  }
0x57: {  	_ =	shalt  }
0x58: {  	_ =	shalt  }
0x59: {  	_ =	shalt  }
0x5a: {  	_ =	shalt  }
0x5b: {  	_ =	shalt  }
0x5c: {  	_ =	shalt  }
0x5d: {  	_ =	shalt  }
0x5e: {  	_ =	shalt  }
0x5f: {  	_ =	shalt  }
0x60: {  	_ =	shalt  }
0x61: {  	_ =	shalt  }
0x62: {  	_ =	shalt  }
0x63: {  	_ =	shalt  }
0x64: {  	_ =	shalt  }
0x65: {  	_ =	shalt  }
0x66: {  	_ =	shalt  }
0x67: {  	_ =	shalt  }
0x68: {  	_ =	shalt  }
0x69: {  	_ =	shalt  }
0x6a: {  	_ =	shalt  }
0x6b: {  	_ =	shalt  }
0x6c: {  	_ =	shalt  }
0x6d: {  	_ =	shalt  }
0x6e: {  	_ =	shalt  }
0x6f: {  	_ =	shalt  }
0x70: {  	_ =	shalt  }
0x71: {  	_ =	shalt  }
0x72: {  	_ =	shalt  }
0x73: {  	_ =	shalt  }
0x74: {  	_ =	shalt  }
0x75: {  	_ =	shalt  }
0x76: {  	_ =	shalt  }
0x77: {  	_ =	shalt  }
0x78: {  	_ =	shalt  }
0x79: {  	_ =	shalt  }
0x7a: {  	_ =	shalt  }
0x7b: {  	_ =	shalt  }
0x7c: {  	_ =	shalt  }
0x7d: {  	_ =	shalt  }
0x7e: {  	_ =	shalt  }
0x7f: {  	_ =	shalt  }
0x80: {  	_ =	shalt  }
0x81: {  	_ =	shalt  }
0x82: {  	_ =	shalt  }
0x83: {  	_ =	shalt  }
0x84: {  	_ =	shalt  }
0x85: {  	_ =	shalt  }
0x86: {  	_ =	shalt  }
0x87: {  	_ =	shalt  }
.Lfunc_end0:
.L_simem_size_0:
called_computation_lowered:
.L_overlay_start_0:
0x88: {  	s2 =	sld [smem:$0x3FD9]  }
0x89: {  	s3 =	sld [smem:$0x3FFE];
	_ =	sdelay $0x1  }
0x8a: {  	s1 =	srdreg.scid  }
0x8b: {  	s0 =	sand.u32 $0x1, s1  }
0x8c: {  	s17 =	sshll.u32 s0, $0xA;
	s2 =	sadd.s32 s3, s2  }
0x8d: {  	s2 =	sadd.s32 s2, s17  }
0x8e: {  	[smem:$0x3FC4] =	sst s2  }
0x8f: {  	_ = 	snop  }
0x90: {  	s2 =	sld [smem:$0x3FD0];
	(tm) =	ssettm $0x1  }
0x91: {  	s18 =	sld [smem:$0x3FFB];
	_ =	sdelay $0x3  }
0x92: {  	_ =	strace s18  }
0x93: {  	s3 =	sld [smem:$0x3FFC];
	_ =	sdelay $0x3  }
0x94: {  	_ =	strace s3  }
0x95: {  	s3 =	sld [smem:$0x3FFD];
	_ =	sdelay $0x3  }
0x96: {  	_ =	strace s3  }
0x97: {  	_ =	strace $0x8FFFFFFF  }
0x98: {  	s19 =	sld [smem:$0x3FDB];
	_ =	sdelay $0x1  }
0x99: {  	s4 =	simm.s32 $_scs_section_size  }
0x9a: {  	s5 =	simm.s32 $_size__tile_overlayer_lowered;
	s6 =	simm.s32 $_tile_overlayer_lowered  }
0x9b: {  	s22 =	simm.s32 $0x1BFF;
	s21 =	sshll.u32 s6, $0x1;
	s3 =	sadd.s32 s4, s19  }
0x9c: {  	s7 =	simm.s32 $0x0;
	s20 =	sshll.u32 s5, $0x1;
	s5 =	sadd.s32 s21, s3  }
0x9d: {  	[timem:s7], [sflag:s22] =	dma.local [hbm:s5], s20  }
0x9e: {  	_ =	swait.ge [sflag:s22], s20  }
0x9f: {  	s4 =	ssub.s32 $0x0, s20;
	[sflag:s22] =	ssyncset.done $0x0  }
0xa0: {  	[sflag:s22] =	ssyncadd.s32 s4;
	_ =	sdelay $0x1  }
0xa1: {  	s23 =	simm.s32 $0x1B8B  }
0xa2: {  	_ =	swait.ge [sflag:s23], $0x1  }
0xa3: {  	[sflag:s23] =	ssyncset.done $0x0  }
0xa4: {  	s25 =	simm.s32 $0x1B8E;
	s24 =	sld [smem:$0x3FFE];
	[sflag:s23] =	ssyncadd.s32 $0xFFFFFFFF  }
0xa5: {  	s26 =	simm.s32 $execute0_lowered;
	[smem:$0x3FD2] =	sst s25  }
0xa6: {  	s5 =	sshll.u32 s26, $0x1;
	_ =	strace $0x80000046;
	[dreg:$0x1] =	wrdreg $0xFFFFFFFF  }
0xa7: {  	s28 =	simm.s32 $_size_execute0_lowered;
	s3 =	sadd.s32 s3, s5;
	[dreg:$0x0] =	wrdreg $0x0  }
0xa8: {  	s5 =	sshll.u32 s28, $0x1;
	[dreg:$0x2] =	wrdreg s3  }
0xa9: {  	[dreg:$0x3] =	wrdreg s5  }
0xaa: {  	[dreg:$0x4] =	wrdreg $0xC0  }
0xab: {  	_ =	task [dreg:s7], $0x5FFFF  }
0xac: {  	[dreg:$0x1] =	wrdreg $0xFFFFFFFF  }
0xad: {  	[dreg:$0x0] =	wrdreg $0x60  }
0xae: {  	[dreg:$0x2] =	wrdreg s24  }
0xaf: {  	[dreg:$0x3] =	wrdreg s2  }
0xb0: {  	[dreg:$0x4] =	wrdreg $0x92000  }
0xb1: {  	[dreg:$0x5] =	wrdreg $0x9  }
0xb2: {  	_ =	task.clear_ibuf [dreg:s7], $0x6FFFF;
	_ =	strace $0x90000046  }
0xb3: {  	s29 =	simm.s32 $0x9;
	_ =	strace $0x80000048  }
0xb4: {  	_ =	swait.ge [sflag:s29], $0x1  }
0xb5: {  	[sflag:s29] =	ssyncadd.s32 $0xFFFFFFFF  }
0xb6: {  	_ =	strace $0x90000048  }
0xb7: {  	_ =	sfence  }
0xb8: {  	s30 =	sld [smem:$0x0];
	_ =	sdelay $0x2  }
0xb9: {  	s31 =	sshll.u32 s1, $0xD;
	s1 =	sshrl.u32 s1, $0x2  }
0xba: {  	s3 =	sand.u32 $0x4000, s31;
	s1 =	sadd.s32 s1, s30  }
0xbb: {  	s0 =	sor.u32 s3, s0;
	s1 =	sshll.u32 s1, $0x11  }
0xbc: {  	s0 =	sor.u32 s1, s0  }
0xbd: {  	s0 =	sadd.s32 $0x8F2B, s0  }
0xbe: {  	[sflag:s0] =	ssyncadd.remote.s32 $0x1  }
0xbf: {  	_ =	sfence.sel $0xFFFF  }
0xc0: {  	[dreg:$0x0] =	wrdreg $0xFFFFFFFF;
	(pc) =	sbr.abs _section_cstart, $3  }
0xc1: {  	[dreg:$0x1] =	wrdreg $0xFFFFFFFF  }
0xc2: {  	_ =	task.clear_ibuf [dreg:s7], $0x2FFFF;
	_ =	strace $0x9FFFFFFF  }
0xc3: {  	(tm) =	ssettm $0x7FFFFFFF  }
tec
execute0_lowered:
.L_overlay_start_1:
0x0: {  	(tag) =	ssettag $0x1  }
0x1: {  	s0 =	rddreg [dreg:$0x0]  }
0x2: {  	s11 =	rddreg [dreg:$0x1]  }
0x3: {  	s2 =	rddreg [dreg:$0x2];
	s3 =	srdreg.scid  }
0x4: {  	s1 =	stileid.u32;
	s29 =	simm.s32 $0x4A00;
	s30 =	simm.s32 $0xC0  }
0x5: {  	s31 =	simm.s32 $0x1C0;
	s28 =	simm.s32 $0x0;
	s6 =	smul.u32 $0x16800, s1  }
0x6: {  	s5 =	sand.u32 $0x1, s3;
	s3 =	simm.s32 $0x0;
	s13 =	smul.u32 $0x5000, s1  }
0x7: {  	s14 =	sadd.s32 $0x2CA00, s0;
	s16 =	sshll.u32 s1, $0x6;
	s4 =	sshll.u32 s5, $0x4  }
0x8: {  	[smem:$0x7FF] =	sst s3;
	s7 =	smul.u32 $0x168000, s5;
	s9 =	ssub.s32 $0x2, s5  }
0x9: {  	s10 =	smul.u32 $0x50000, s5;
	_ =	strace $0x80000047;
	[dreg:$0xb] =	wrdreg s14  }
0xa: {  	s8 =	sor.u32 s1, s4;
	s4 =	sadd.s32 $0xA00, s0;
	[dreg:$0x8] =	wrdreg s29  }
0xb: {  	s12 =	sshrl.u32 s9, $0x1;
	s14 =	sadd.s32 s6, s2;
	[dreg:$0x9] =	wrdreg s30  }
0xc: {  	[dreg:$0xa] =	wrdreg s31;
	s8 =	smul.u32 $0x5000, s8;
	s7 =	sadd.s32 s6, s7  }
0xd: {  	s12 =	ssub.s32 s9, s12;
	s10 =	sadd.s32 s13, s10;
	s7 =	sshrl.u32 s7, $0x3  }
0xe: {  	s18 =	sor.u32 $0x280, s10;
	s21 =	sor.u32 $0x200, s10;
	s23 =	sor.u32 $0x180, s10  }
0xf: {  	s10 =	sor.u32 $0x100, s10;
	s0 =	sadd.s32 s7, s0;
	s15 =	sshrl.u32 s8, $0x3  }
0x10: {  	s7 =	sor.u32 $0x1C09, s16;
	s19 =	sshrl.u32 s18, $0x3;
	s22 =	sshrl.u32 s21, $0x3  }
0x11: {  	s13 =	sshrl.u32 s23, $0x3;
	s25 =	sshrl.u32 s10, $0x3;
	s10 =	smax.u32 s12, $0x1  }
0x12: {  	s12 =	simm.s32 $0x9;
	s16 =	simm.s32 $0x2600;
	s18 =	simm.s32 $0x1  }
0x13: {  	s21 =	simm.s32 $0x2;
	s23 =	simm.s32 $0x5;
	s17 =	sadd.s32 s11, s15  }
0x14: {  	s0 =	sadd.s32 $0x2F800, s0;
	s20 =	sadd.s32 s19, s11;
	[dreg:$0xc] =	wrdreg s17  }
0x15: {  	s24 =	sadd.s32 s13, s11;
	s26 =	sadd.s32 s25, s11;
	[dreg:$0xe] =	wrdreg s0  }
0x16: {  	s13 =	simm.s32 $0x40;
	s15 =	simm.s32 $0x80;
	[dreg:$0x4] =	wrdreg s20  }
0x17: {  	s19 =	simm.s32 $0x180;
	s25 =	simm.s32 $0x7;
	[dreg:$0x6] =	wrdreg s24  }
0x18: {  	s1 =	sadd.s32 $0x10, s17;
	s0 =	sadd.s32 s22, s11;
	[dreg:$0x7] =	wrdreg s26  }
0x19: {  	s11 =	sshrl.u32 s14, $0x3;
	s14 =	simm.s32 $0x200;
	s17 =	simm.s32 $0x100  }
0x1a: {  	s20 =	simm.s32 $0x6E00;
	s22 =	simm.s32 $0x4;
	[dreg:$0xd] =	wrdreg s1  }
0x1b: {  	s24 =	simm.s32 $0x6;
	s26 =	simm.s32 $0x8;
	[dreg:$0x5] =	wrdreg s0  }
.LBB2_1:
0x1c: {  	s0 =	rddreg [dreg:$0xb]  }
0x1d: {  	[spmem:s11], [sflag:s7] =	dma.local [hbm:s0], $0x2D00  }
0x1e: {  	_ =	swait.ge [sflag:s12], $0x2D00  }
0x1f: {  	[sflag:s12] =	ssyncset.done $0x0  }
0x20: {  	[sflag:s12] =	ssyncadd.s32 $0xFFFFD300  }
0x21: {  	[bflag:$0x0] =	sbarrier.arrive $0xFFFF  }
0x22: {  	s1 =	rddreg [dreg:$0xc]  }
0x23: {  	[tilespmem:s3], [sflag:$0x9] =	stream.linear.gather [hbm4b:s1+s3], $0x80, $0x38;
	[tilespmem:$0x1FA00] =	vst v63  }
0x24: {  	_ =	swait.ge [sflag:s12], $0x80  }
0x25: {  	[sflag:s12] =	ssyncset.done $0x0  }
0x26: {  	[sflag:s12] =	ssyncadd.s32 $0xFFFFFF80  }
0x27: {  	[tilespmem:s14], [sflag:$0x1] =	stream.indirect.gather [hbm4b:s4+s13], $0x90, s3, s13, $0xb8;
	[tilespmem:$0x1FA00] =	vst v63  }
0x28: {  	s5 =	rddreg [dreg:$0xd]  }
0x29: {  	[tilespmem:s15], [sflag:$0x9] =	stream.linear.gather [hbm4b:s5+s3], $0x80, $0x38;
	[tilespmem:$0x1FA00] =	vst v63  }
0x2a: {  	p0 =	por $0x1, $0x1;
	_ =	swait.ge [sflag:s12], $0x80  }
0x2b: {  	p0 =	por p0, p0;
	[sflag:s12] =	ssyncset.done $0x0  }
0x2c: {  	s0 =	simm.s32 @!p0 $0x7;
	[sflag:s12] =	ssyncadd.s32 $0xFFFFFF80  }
0x2d: {  	[tilespmem:s16], [sflag:$0x2] =	stream.indirect.gather [hbm4b:s4+s13], $0x90, s15, s13, $0xb8;
	[tilespmem:$0x1FA00] =	vst v63  }
0x2e: {  	_ =	swait.ge @!p0 [sflag:s0], $0x2400  }
0x2f: {  	s29 =	rddreg [dreg:$0x7];
	[sflag:s0] =	ssyncset.done @!p0 $0x0  }
0x30: {  	[sflag:s0] =	ssyncadd.s32 @!p0 $0xFFFFDC00;
	s6 =	sadd.s32 $0x0, s29  }
0x31: {  	[tilespmem:s17], [sflag:$0x9] =	stream.linear.gather [hbm4b:s6+s3], $0x80, $0x38;
	[tilespmem:$0x1FA00] =	vst v63  }
0x32: {  	_ =	swait.ge [sflag:s12], $0x80  }
0x33: {  	[sflag:s12] =	ssyncset.done $0x0  }
0x34: {  	s8 =	rddreg [dreg:$0x8];
	[sflag:s12] =	ssyncadd.s32 $0xFFFFFF80  }
0x35: {  	[tilespmem:s8], [sflag:$0x3] =	stream.indirect.gather [hbm4b:s4+s13], $0x90, s17, s13, $0xb8;
	[tilespmem:$0x1FA00] =	vst v63  }
0x36: {  	_ =	swait.ge [sflag:s18], $0x2400  }
0x37: {  	[sflag:s18] =	ssyncset.done $0x0  }
0x38: {  	s0 =	simm.s32 @!p0 $0x8;
	[sflag:s18] =	ssyncadd.s32 $0xFFFFDC00  }
0x39: {  	[spmem:s2] =	stream.indirect.scatter.add.f32 [tilespmem:s14], [sflag:$0x5], $0x90, s13, s13, $0xb8;
	[tilespmem:$0x1FA00] =	vst v63  }
0x3a: {  	_ =	swait.ge @!p0 [sflag:s0], $0x2400  }
0x3b: {  	s29 =	rddreg [dreg:$0x6];
	[sflag:s0] =	ssyncset.done @!p0 $0x0  }
0x3c: {  	[sflag:s0] =	ssyncadd.s32 @!p0 $0xFFFFDC00;
	s9 =	sadd.s32 $0x0, s29  }
0x3d: {  	[tilespmem:s19], [sflag:$0x9] =	stream.linear.gather [hbm4b:s9+s3], $0x80, $0x38;
	[tilespmem:$0x1FA00] =	vst v63  }
0x3e: {  	_ =	swait.ge [sflag:s12], $0x80  }
0x3f: {  	[sflag:s12] =	ssyncset.done $0x0  }
0x40: {  	[sflag:s12] =	ssyncadd.s32 $0xFFFFFF80  }
0x41: {  	[tilespmem:s20], [sflag:$0x4] =	stream.indirect.gather [hbm4b:s4+s13], $0x90, s19, s13, $0xb8;
	[tilespmem:$0x1FA00] =	vst v63  }
0x42: {  	_ =	swait.ge [sflag:s21], $0x2400  }
0x43: {  	p0 =	por $0x0, $0x0;
	[sflag:s21] =	ssyncset.done $0x0  }
0x44: {  	s0 =	simm.s32 @p0 $0x3;
	s31 =	rddreg [dreg:$0x9];
	[sflag:s21] =	ssyncadd.s32 $0xFFFFDC00  }
0x45: {  	[spmem:s2] =	stream.indirect.scatter.add.f32 [tilespmem:s16], [sflag:$0x6], $0x90, s31, s13, $0xb8;
	[tilespmem:$0x1FA00] =	vst v63  }
0x46: {  	_ =	swait.ge @p0 [sflag:s0], $0x2400  }
0x47: {  	s29 =	simm.s32 @p0 $0x4A00;
	s30 =	simm.s32 @p0 $0x40;
	[sflag:s0] =	ssyncset.done @p0 $0x0  }
0x48: {  	s31 =	simm.s32 @p0 $0x140;
	[sflag:s0] =	ssyncadd.s32 @p0 $0xFFFFDC00;
	s0 =	simm.s32 @!p0 $0x5  }
0x49: {  	[spmem:s2] =	stream.indirect.scatter.add.f32 @p0 [tilespmem:s29], [sflag:$0x7], $0x90, s31, s30, $0xb8;
	[tilespmem:$0x1FA00] =	vst v63  }
0x4a: {  	_ =	swait.ge @!p0 [sflag:s0], $0x2400  }
0x4b: {  	s30 =	simm.s32 @!p0 $0x9;
	s29 =	rddreg [dreg:$0x5];
	[sflag:s0] =	ssyncset.done @!p0 $0x0  }
0x4c: {  	[sflag:s0] =	ssyncadd.s32 @!p0 $0xFFFFDC00;
	s0 =	simm.s32 @!p0 $0x0;
	s29 =	sadd.s32 @!p0 $0x0, s29  }
0x4d: {  	[tilespmem:s0], [sflag:$0x9] =	stream.linear.gather @!p0 [hbm4b:s29+s0], $0x80, $0x38;
	[tilespmem:$0x1FA00] =	vst v63  }
0x4e: {  	_ =	swait.ge @!p0 [sflag:s30], $0x80  }
0x4f: {  	s1 =	simm.s32 @!p0 $0x3;
	[sflag:s30] =	ssyncset.done @!p0 $0x0  }
0x50: {  	s31 =	simm.s32 @!p0 $0x200;
	s29 =	simm.s32 @!p0 $0x40;
	[sflag:s30] =	ssyncadd.s32 @!p0 $0xFFFFFF80  }
0x51: {  	[tilespmem:s31], [sflag:$0x1] =	stream.indirect.gather @!p0 [hbm4b:s4+s29], $0x90, s0, s29, $0xb8;
	[tilespmem:$0x1FA00] =	vst v63  }
0x52: {  	_ =	swait.ge @!p0 [sflag:s1], $0x2400  }
0x53: {  	[sflag:s1] =	ssyncset.done @!p0 $0x0  }
0x54: {  	s31 =	simm.s32 @!p0 $0x140;
	[sflag:s1] =	ssyncadd.s32 @!p0 $0xFFFFDC00;
	s1 =	simm.s32 @!p0 $0x4A00  }
0x55: {  	[spmem:s2] =	stream.indirect.scatter.add.f32 @!p0 [tilespmem:s1], [sflag:$0x7], $0x90, s31, s29, $0xb8;
	[tilespmem:$0x1FA00] =	vst v63  }
0x56: {  	s1 =	simm.s32 @!p0 $0x6  }
0x57: {  	_ =	swait.ge @!p0 [sflag:s1], $0x2400  }
0x58: {  	s31 =	rddreg [dreg:$0x4];
	[sflag:s1] =	ssyncset.done @!p0 $0x0  }
0x59: {  	[sflag:s1] =	ssyncadd.s32 @!p0 $0xFFFFDC00;
	s1 =	simm.s32 @!p0 $0x80;
	s31 =	sadd.s32 @!p0 $0x0, s31  }
0x5a: {  	[tilespmem:s1], [sflag:$0x9] =	stream.linear.gather @!p0 [hbm4b:s31+s0], $0x80, $0x38;
	[tilespmem:$0x1FA00] =	vst v63  }
0x5b: {  	_ =	swait.ge @!p0 [sflag:s30], $0x80  }
0x5c: {  	[sflag:s30] =	ssyncset.done @!p0 $0x0  }
0x5d: {  	s0 =	simm.s32 @!p0 $0x2600;
	[sflag:s30] =	ssyncadd.s32 @!p0 $0xFFFFFF80  }
0x5e: {  	[tilespmem:s0], [sflag:$0x2] =	stream.indirect.gather @!p0 [hbm4b:s4+s29], $0x90, s1, s29, $0xb8;
	[tilespmem:$0x1FA00] =	vst v63  }
0x5f: {  	p6 =	por $0x0, $0x0;
	_ =	swait.ge [sflag:s22], $0x2400  }
0x60: {  	s30 =	simm.s32 $0x80;
	s29 =	simm.s32 $0x40;
	[sflag:s22] =	ssyncset.done $0x0  }
0x61: {  	p0 =	por p6, p6;
	s0 =	rddreg [dreg:$0xa];
	[sflag:s22] =	ssyncadd.s32 $0xFFFFDC00  }
.LBB2_2:
0x62: {  	s1 =	simm.s32 @!p0 $0x7  }
0x63: {  	[spmem:s2] =	stream.indirect.scatter.add.f32 [tilespmem:s20], [sflag:$0x8], $0x90, s0, s13, $0xb8;
	[tilespmem:$0x1FA00] =	vst v63  }
0x64: {  	_ =	swait.ge @!p0 [sflag:s1], $0x2400  }
0x65: {  	[sflag:s1] =	ssyncset.done @!p0 $0x0;
	s9 =	rddreg [dreg:$0x7]  }
0x66: {  	[sflag:s1] =	ssyncadd.s32 @!p0 $0xFFFFDC00;
	s0 =	sadd.s32 s29, s9  }
0x67: {  	[tilespmem:s17], [sflag:$0x9] =	stream.linear.gather [hbm4b:s0+s3], $0x80, $0x38;
	[tilespmem:$0x1FA00] =	vst v63  }
0x68: {  	_ =	swait.ge [sflag:s12], $0x80  }
0x69: {  	[sflag:s12] =	ssyncset.done $0x0  }
0x6a: {  	s5 =	rddreg [dreg:$0x8];
	[sflag:s12] =	ssyncadd.s32 $0xFFFFFF80  }
0x6b: {  	[tilespmem:s5], [sflag:$0x3] =	stream.indirect.gather [hbm4b:s4+s13], $0x90, s17, s13, $0xb8;
	[tilespmem:$0x1FA00] =	vst v63  }
0x6c: {  	_ =	swait.ge [sflag:s18], $0x2400  }
0x6d: {  	[sflag:s18] =	ssyncset.done $0x0  }
0x6e: {  	s0 =	simm.s32 @!p0 $0x8;
	[sflag:s18] =	ssyncadd.s32 $0xFFFFDC00  }
0x6f: {  	[spmem:s2] =	stream.indirect.scatter.add.f32 [tilespmem:s14], [sflag:$0x5], $0x90, s13, s13, $0xb8;
	[tilespmem:$0x1FA00] =	vst v63  }
0x70: {  	_ =	swait.ge @!p0 [sflag:s0], $0x2400  }
0x71: {  	s6 =	rddreg [dreg:$0x6];
	[sflag:s0] =	ssyncset.done @!p0 $0x0  }
0x72: {  	[sflag:s0] =	ssyncadd.s32 @!p0 $0xFFFFDC00;
	s8 =	sadd.s32 s29, s6  }
0x73: {  	[tilespmem:s19], [sflag:$0x9] =	stream.linear.gather [hbm4b:s8+s3], $0x80, $0x38;
	[tilespmem:$0x1FA00] =	vst v63  }
0x74: {  	_ =	swait.ge [sflag:s12], $0x80  }
0x75: {  	[sflag:s12] =	ssyncset.done $0x0  }
0x76: {  	[sflag:s12] =	ssyncadd.s32 $0xFFFFFF80  }
0x77: {  	[tilespmem:s20], [sflag:$0x4] =	stream.indirect.gather [hbm4b:s4+s13], $0x90, s19, s13, $0xb8;
	[tilespmem:$0x1FA00] =	vst v63  }
0x78: {  	p2 =	seq.s32 s30, $0x0;
	_ =	swait.ge [sflag:s21], $0x2400  }
0x79: {  	p0 =	por p2, p2;
	p2 =	seq.s32 s29, $0x9C0;
	[sflag:s21] =	ssyncset.done $0x0  }
0x7a: {  	s0 =	simm.s32 @p2 $0x3;
	s9 =	rddreg [dreg:$0x9];
	[sflag:s21] =	ssyncadd.s32 $0xFFFFDC00  }
0x7b: {  	[spmem:s2] =	stream.indirect.scatter.add.f32 [tilespmem:s16], [sflag:$0x6], $0x90, s9, s13, $0xb8;
	[tilespmem:$0x1FA00] =	vst v63  }
0x7c: {  	_ =	swait.ge @p2 [sflag:s0], $0x2400  }
0x7d: {  	s1 =	simm.s32 @p2 $0x4A00;
	s5 =	simm.s32 @p2 $0x40;
	[sflag:s0] =	ssyncset.done @p2 $0x0  }
0x7e: {  	s8 =	simm.s32 @p2 $0x140;
	[sflag:s0] =	ssyncadd.s32 @p2 $0xFFFFDC00;
	s0 =	simm.s32 @!p2 $0x5  }
0x7f: {  	[spmem:s2] =	stream.indirect.scatter.add.f32 @p2 [tilespmem:s1], [sflag:$0x7], $0x90, s8, s5, $0xb8;
	[tilespmem:$0x1FA00] =	vst v63  }
0x80: {  	_ =	swait.ge @!p2 [sflag:s0], $0x2400  }
0x81: {  	s5 =	simm.s32 @!p2 $0x9;
	[sflag:s0] =	ssyncset.done @!p2 $0x0;
	s1 =	rddreg [dreg:$0x5]  }
0x82: {  	[sflag:s0] =	ssyncadd.s32 @!p2 $0xFFFFDC00;
	s0 =	simm.s32 @!p2 $0x0;
	s1 =	sadd.s32 @!p2 s29, s1  }
0x83: {  	[tilespmem:s0], [sflag:$0x9] =	stream.linear.gather @!p2 [hbm4b:s1+s0], $0x80, $0x38;
	[tilespmem:$0x1FA00] =	vst v63  }
0x84: {  	_ =	swait.ge @!p2 [sflag:s5], $0x80  }
0x85: {  	s9 =	simm.s32 @!p2 $0x3;
	[sflag:s5] =	ssyncset.done @!p2 $0x0  }
0x86: {  	s8 =	simm.s32 @!p2 $0x200;
	s1 =	simm.s32 @!p2 $0x40;
	[sflag:s5] =	ssyncadd.s32 @!p2 $0xFFFFFF80  }
0x87: {  	[tilespmem:s8], [sflag:$0x1] =	stream.indirect.gather @!p2 [hbm4b:s4+s1], $0x90, s0, s1, $0xb8;
	[tilespmem:$0x1FA00] =	vst v63  }
0x88: {  	_ =	swait.ge @!p2 [sflag:s9], $0x2400  }
0x89: {  	s6 =	simm.s32 @!p2 $0x4A00;
	[sflag:s9] =	ssyncset.done @!p2 $0x0  }
0x8a: {  	s8 =	simm.s32 @!p2 $0x140;
	[sflag:s9] =	ssyncadd.s32 @!p2 $0xFFFFDC00;
	s9 =	simm.s32 @!p2 $0x6  }
0x8b: {  	[spmem:s2] =	stream.indirect.scatter.add.f32 @!p2 [tilespmem:s6], [sflag:$0x7], $0x90, s8, s1, $0xb8;
	[tilespmem:$0x1FA00] =	vst v63  }
0x8c: {  	_ =	swait.ge @!p2 [sflag:s9], $0x2400  }
0x8d: {  	[sflag:s9] =	ssyncset.done @!p2 $0x0;
	s6 =	rddreg [dreg:$0x4]  }
0x8e: {  	s8 =	simm.s32 @!p2 $0x80;
	[sflag:s9] =	ssyncadd.s32 @!p2 $0xFFFFDC00;
	s6 =	sadd.s32 @!p2 s29, s6  }
0x8f: {  	[tilespmem:s8], [sflag:$0x9] =	stream.linear.gather @!p2 [hbm4b:s6+s0], $0x80, $0x38;
	[tilespmem:$0x1FA00] =	vst v63  }
0x90: {  	s31 =	smov.u32 s30;
	s30 =	sadd.s32 $0x40, s30;
	_ =	swait.ge @!p2 [sflag:s5], $0x80  }
0x91: {  	p1 =	sne.s32 s30, $0xA00;
	[sflag:s5] =	ssyncset.done @!p2 $0x0  }
.Ltmp0:
0x92: {  	s0 =	simm.s32 @!p2 $0x2600;
	[sflag:s5] =	ssyncadd.s32 @!p2 $0xFFFFFF80;
	(pc) =	sbr.rel @p1 .LBB2_2-.Ltmp0, $4  }
0x93: {  	[tilespmem:s0], [sflag:$0x2] =	stream.indirect.gather @!p2 [hbm4b:s4+s1], $0x90, s8, s1, $0xb8;
	[tilespmem:$0x1FA00] =	vst v63  }
0x94: {  	_ =	swait.ge [sflag:s22], $0x2400  }
0x95: {  	[sflag:s22] =	ssyncset.done $0x0  }
0x96: {  	s29 =	smov.u32 s31;
	s0 =	rddreg [dreg:$0xa];
	[sflag:s22] =	ssyncadd.s32 $0xFFFFDC00  }
0x97: {  	s1 =	simm.s32 @!p0 $0x7  }
0x98: {  	[spmem:s2] =	stream.indirect.scatter.add.f32 [tilespmem:s20], [sflag:$0x8], $0x90, s0, s13, $0xb8;
	[tilespmem:$0x1FA00] =	vst v63  }
0x99: {  	_ =	swait.ge @!p0 [sflag:s1], $0x2400  }
0x9a: {  	s31 =	rddreg [dreg:$0x7];
	[sflag:s1] =	ssyncset.done @!p0 $0x0  }
0x9b: {  	[sflag:s1] =	ssyncadd.s32 @!p0 $0xFFFFDC00;
	s0 =	sadd.s32 s29, s31  }
0x9c: {  	[tilespmem:s17], [sflag:$0x9] =	stream.linear.gather [hbm4b:s0+s3], $0x80, $0x38;
	[tilespmem:$0x1FA00] =	vst v63  }
0x9d: {  	_ =	swait.ge [sflag:s12], $0x80  }
0x9e: {  	[sflag:s12] =	ssyncset.done $0x0  }
0x9f: {  	s5 =	rddreg [dreg:$0x8];
	[sflag:s12] =	ssyncadd.s32 $0xFFFFFF80  }
0xa0: {  	[tilespmem:s5], [sflag:$0x3] =	stream.indirect.gather [hbm4b:s4+s13], $0x90, s17, s13, $0xb8;
	[tilespmem:$0x1FA00] =	vst v63  }
0xa1: {  	_ =	swait.ge [sflag:s18], $0x2400  }
0xa2: {  	[sflag:s18] =	ssyncset.done $0x0  }
0xa3: {  	s0 =	simm.s32 @!p0 $0x8;
	[sflag:s18] =	ssyncadd.s32 $0xFFFFDC00  }
0xa4: {  	[spmem:s2] =	stream.indirect.scatter.add.f32 [tilespmem:s14], [sflag:$0x5], $0x90, s13, s13, $0xb8;
	[tilespmem:$0x1FA00] =	vst v63  }
0xa5: {  	_ =	swait.ge @!p0 [sflag:s0], $0x2400  }
0xa6: {  	s6 =	rddreg [dreg:$0x6];
	[sflag:s0] =	ssyncset.done @!p0 $0x0  }
0xa7: {  	[sflag:s0] =	ssyncadd.s32 @!p0 $0xFFFFDC00;
	s8 =	sadd.s32 s29, s6  }
0xa8: {  	[tilespmem:s19], [sflag:$0x9] =	stream.linear.gather [hbm4b:s8+s3], $0x80, $0x38;
	[tilespmem:$0x1FA00] =	vst v63  }
0xa9: {  	_ =	swait.ge [sflag:s12], $0x80  }
0xaa: {  	[sflag:s12] =	ssyncset.done $0x0  }
0xab: {  	[sflag:s12] =	ssyncadd.s32 $0xFFFFFF80  }
0xac: {  	[tilespmem:s20], [sflag:$0x4] =	stream.indirect.gather [hbm4b:s4+s13], $0x90, s19, s13, $0xb8;
	[tilespmem:$0x1FA00] =	vst v63  }
0xad: {  	_ =	swait.ge [sflag:s21], $0x2400  }
0xae: {  	p0 =	seq.s32 s29, $0x9C0;
	[sflag:s21] =	ssyncset.done $0x0  }
0xaf: {  	s0 =	simm.s32 @p0 $0x3;
	s9 =	rddreg [dreg:$0x9];
	[sflag:s21] =	ssyncadd.s32 $0xFFFFDC00  }
0xb0: {  	[spmem:s2] =	stream.indirect.scatter.add.f32 [tilespmem:s16], [sflag:$0x6], $0x90, s9, s13, $0xb8;
	[tilespmem:$0x1FA00] =	vst v63  }
0xb1: {  	_ =	swait.ge @p0 [sflag:s0], $0x2400  }
0xb2: {  	s1 =	simm.s32 @p0 $0x4A00;
	s5 =	simm.s32 @p0 $0x40;
	[sflag:s0] =	ssyncset.done @p0 $0x0  }
0xb3: {  	s6 =	simm.s32 @p0 $0x140;
	[sflag:s0] =	ssyncadd.s32 @p0 $0xFFFFDC00;
	s0 =	simm.s32 @!p0 $0x5  }
0xb4: {  	[spmem:s2] =	stream.indirect.scatter.add.f32 @p0 [tilespmem:s1], [sflag:$0x7], $0x90, s6, s5, $0xb8;
	[tilespmem:$0x1FA00] =	vst v63  }
0xb5: {  	_ =	swait.ge @!p0 [sflag:s0], $0x2400  }
0xb6: {  	s5 =	simm.s32 @!p0 $0x9;
	s1 =	rddreg [dreg:$0x5];
	[sflag:s0] =	ssyncset.done @!p0 $0x0  }
0xb7: {  	[sflag:s0] =	ssyncadd.s32 @!p0 $0xFFFFDC00;
	s0 =	simm.s32 @!p0 $0x0;
	s1 =	sadd.s32 @!p0 s29, s1  }
0xb8: {  	[tilespmem:s0], [sflag:$0x9] =	stream.linear.gather @!p0 [hbm4b:s1+s0], $0x80, $0x38;
	[tilespmem:$0x1FA00] =	vst v63  }
0xb9: {  	_ =	swait.ge @!p0 [sflag:s5], $0x80  }
0xba: {  	s8 =	simm.s32 @!p0 $0x3;
	[sflag:s5] =	ssyncset.done @!p0 $0x0  }
0xbb: {  	s6 =	simm.s32 @!p0 $0x200;
	s1 =	simm.s32 @!p0 $0x40;
	[sflag:s5] =	ssyncadd.s32 @!p0 $0xFFFFFF80  }
0xbc: {  	[tilespmem:s6], [sflag:$0x1] =	stream.indirect.gather @!p0 [hbm4b:s4+s1], $0x90, s0, s1, $0xb8;
	[tilespmem:$0x1FA00] =	vst v63  }
0xbd: {  	_ =	swait.ge @!p0 [sflag:s8], $0x2400  }
0xbe: {  	[sflag:s8] =	ssyncset.done @!p0 $0x0  }
0xbf: {  	s6 =	simm.s32 @!p0 $0x140;
	[sflag:s8] =	ssyncadd.s32 @!p0 $0xFFFFDC00;
	s8 =	simm.s32 @!p0 $0x4A00  }
0xc0: {  	[spmem:s2] =	stream.indirect.scatter.add.f32 @!p0 [tilespmem:s8], [sflag:$0x7], $0x90, s6, s1, $0xb8;
	[tilespmem:$0x1FA00] =	vst v63  }
0xc1: {  	s6 =	simm.s32 @!p0 $0x6  }
0xc2: {  	_ =	swait.ge @!p0 [sflag:s6], $0x2400  }
0xc3: {  	s8 =	rddreg [dreg:$0x4];
	[sflag:s6] =	ssyncset.done @!p0 $0x0  }
0xc4: {  	[sflag:s6] =	ssyncadd.s32 @!p0 $0xFFFFDC00;
	s6 =	sadd.s32 @!p0 s29, s8;
	s8 =	simm.s32 @!p0 $0x80  }
0xc5: {  	[tilespmem:s8], [sflag:$0x9] =	stream.linear.gather @!p0 [hbm4b:s6+s0], $0x80, $0x38;
	[tilespmem:$0x1FA00] =	vst v63  }
0xc6: {  	_ =	swait.ge @!p0 [sflag:s5], $0x80  }
0xc7: {  	[sflag:s5] =	ssyncset.done @!p0 $0x0  }
0xc8: {  	s0 =	simm.s32 @!p0 $0x2600;
	[sflag:s5] =	ssyncadd.s32 @!p0 $0xFFFFFF80  }
0xc9: {  	[tilespmem:s0], [sflag:$0x2] =	stream.indirect.gather @!p0 [hbm4b:s4+s1], $0x90, s8, s1, $0xb8;
	[tilespmem:$0x1FA00] =	vst v63  }
0xca: {  	_ =	swait.ge [sflag:s22], $0x2400  }
0xcb: {  	[sflag:s22] =	ssyncset.done $0x0  }
0xcc: {  	s30 =	rddreg [dreg:$0xa];
	[sflag:s22] =	ssyncadd.s32 $0xFFFFDC00  }
0xcd: {  	[spmem:s2] =	stream.indirect.scatter.add.f32 [tilespmem:s20], [sflag:$0x8], $0x90, s30, s13, $0xb8;
	[tilespmem:$0x1FA00] =	vst v63  }
0xce: {  	_ =	swait.ge [sflag:s23], $0x2400  }
0xcf: {  	[sflag:s23] =	ssyncset.done $0x0  }
0xd0: {  	[sflag:s23] =	ssyncadd.s32 $0xFFFFDC00  }
0xd1: {  	_ =	swait.ge [sflag:s24], $0x2400  }
0xd2: {  	[sflag:s24] =	ssyncset.done $0x0  }
0xd3: {  	[sflag:s24] =	ssyncadd.s32 $0xFFFFDC00  }
0xd4: {  	_ =	swait.ge [sflag:s25], $0x2400  }
0xd5: {  	[sflag:s25] =	ssyncset.done $0x0  }
0xd6: {  	[sflag:s25] =	ssyncadd.s32 $0xFFFFDC00  }
0xd7: {  	_ =	swait.ge [sflag:s26], $0x2400  }
0xd8: {  	[sflag:s26] =	ssyncset.done $0x0  }
0xd9: {  	s28 =	sadd.s32 $0x1, s28;
	[sflag:s26] =	ssyncadd.s32 $0xFFFFDC00  }
0xda: {  	p0 =	sne.s32 s28, s10;
	[bflag:$0x0] =	sbarrier.arrive $0xFFFF  }
.Ltmp1:
0xdb: {  	s31 =	rddreg [dreg:$0xe];
	(pc) =	sbr.rel @p0 .LBB2_1-.Ltmp1, $4  }
0xdc: {  	[hbm:s31], [sflag:s7] =	dma.local [spmem:s11], $0x2D00  }
0xdd: {  	_ =	swait.ge [sflag:s12], $0x2D00  }
0xde: {  	[sflag:s12] =	ssyncset.done $0x0  }
0xdf: {  	[sflag:s12] =	ssyncadd.s32 $0xFFFFD300  }
0xe0: {  	_ =	sfence.sel $0x180000  }
0xe1: {  	[bflag:$0x0] =	sbarrier.arrive $0xFFFF  }
0xe2: {  	_ =	strace $0x90000047  }
0xe3: {  	s0 =	stileid.u32;
	[bflag:$0x2] =	sbarrier.arrive $0xFFFF  }
0xe4: {  	p0 =	sne.s32 s0, $0x0;
	s0 =	rddreg [dreg:$0x3]  }
0xe5: {  	s0 =	sadd.s32 @!p0 $0x100000, s0  }
0xe6: {  	[sflag:s0] =	ssyncadd.tile.s32 @!p0 $0x1;
	_ =	shalt  }
.Lfunc_end2:
_tile_overlayer_lowered:
.L_overlay_start_2:
0xe7: {  	(tag) =	ssettag $0x2  }
0xe8: {  	s0 =	rddreg [dreg:$0x0];
	s2 =	stileid.u32  }
0xe9: {  	s1 =	rddreg [dreg:$0x1];
	p0 =	sne.s32 s2, $0x0  }
0xea: {  	s3 =	rddreg [dreg:$0x2];
	[bflag:$0x3] =	sbarrier.arrive $0xFFFF;
	s2 =	simm.s32 @!p0 $0x1C09  }
0xeb: {  	[timem:s3], [sflag:s2] =	dma.local @!p0 [hbm:s0], s1  }
0xec: {  	s0 =	simm.s32 @!p0 $0x9  }
0xed: {  	_ =	swait.ge @!p0 [sflag:s0], s1  }
0xee: {  	s1 =	ssub.s32 @!p0 $0x0, s1;
	[sflag:s0] =	ssyncset.done @!p0 $0x0  }
0xef: {  	[sflag:s0] =	ssyncadd.s32 @!p0 s1  }
0xf0: {  	[bflag:$0x3] =	sbarrier.arrive $0xFFFF  }
0xf1: {  	_ =	shalt  }

</sc_bundles>
